<compile_context>
chip_gen: v7x
topology: tpu7x:2x2x1
jax: 0.10.2.dev20260603
libtpu: 0.0.44.dev20260713+nightly
codegen_flags: <defaults>
</compile_context>

<pallas_src>
import functools

import jax
import jax.numpy as jnp
from jax import lax
from jax.experimental import pallas as pl
from jax.experimental.pallas import tpu as pltpu
from jax.experimental.pallas import tpu_sc as plsc

_NT = 16
_K = 128
_SW = 2048



def _mm(x, w, nsplit=1):
    npad, din = x.shape
    dout = w.shape[1]
    dq = dout // nsplit
    bm = 2048

    wq = w.reshape(din, nsplit, dq).transpose(1, 0, 2)

    def body(x_ref, w_ref, o_ref):
        o_ref[0] = jnp.dot(x_ref[...], w_ref[0],
                           preferred_element_type=jnp.float32)

    return pl.pallas_call(
        body,
        grid=(nsplit, npad // bm),
        in_specs=[pl.BlockSpec((bm, din), lambda q, m: (m, 0)),
                  pl.BlockSpec((1, din, dq), lambda q, m: (q, 0, 0))],
        out_specs=pl.BlockSpec((1, bm, dq), lambda q, m: (q, m, 0)),
        out_shape=jax.ShapeDtypeStruct((nsplit, npad, dq), jnp.float32),
    )(x, wq)


def _finalize(groups, bias, relu):
    pieces = [p for g in groups for p in g]
    sizes = [len(g) for g in groups]
    npad = pieces[0].shape[1]
    dout = 2 * sum(p.shape[2] for p in groups[0])
    bm = 1024
    b2 = bias.reshape(1, dout)

    def body(*refs):
        o_ref = refs[-1]
        tot = jnp.broadcast_to(refs[len(pieces)][...], (bm, dout))
        i = 0
        for ng in sizes:
            parts = []
            for p in range(ng):
                a = refs[i][...]
                parts.append(a[0])
                parts.append(a[1])
                i += 1
            tot = tot + jnp.concatenate(parts, axis=1)
        if relu:
            tot = jnp.maximum(tot, 0.0)
        o_ref[...] = tot

    in_specs = [pl.BlockSpec((2, bm, p.shape[2]), lambda m: (0, m, 0))
                for p in pieces]
    in_specs.append(pl.BlockSpec((1, dout), lambda m: (0, 0)))
    return pl.pallas_call(
        body,
        grid=(npad // bm,),
        in_specs=in_specs,
        out_specs=pl.BlockSpec((bm, dout), lambda m: (m, 0)),
        out_shape=jax.ShapeDtypeStruct((npad, dout), jnp.float32),
    )(*pieces, b2)



def _mesh():
    return plsc.VectorSubcoreMesh(core_axis_name="c", subcore_axis_name="s")


_SC_PARAMS = pltpu.CompilerParams(needs_layout_passes=False,
                                  use_tc_tiling_on_sc=False)


@functools.partial(jax.jit, static_argnames=("npad",))
def _sc_w(src, dst2, asrc, adst, *, npad):
    epad = src.shape[0]
    ewc = epad // (2 * _NT)
    nsw = ewc // _SW
    nck = _SW // _K
    rpt = npad // _NT

    @functools.partial(
        pl.kernel,
        out_type=(jax.ShapeDtypeStruct((epad // _K, _K), jnp.float32),
                  jax.ShapeDtypeStruct((2, npad), jnp.float32)),
        mesh=_mesh(),
        compiler_params=_SC_PARAMS,
        scratch_types=[
            pltpu.VMEM((npad,), jnp.float32),
            pltpu.VMEM((npad,), jnp.float32),
            pltpu.VMEM((_SW,), jnp.int32),
            pltpu.VMEM((nck, _K), jnp.int32),
            pltpu.VMEM((nck, _K), jnp.float32),
            pltpu.VMEM((rpt,), jnp.float32),
            pltpu.VMEM_SHARED((npad,), jnp.float32),
            pltpu.SemaphoreType.DMA,
        ],
    )
    def k(src_hbm, dst_hbm, asrc_hbm, adst_hbm, exw_hbm, den_hbm,
          asrc_v, adst_v, sbuf, dbuf, exbuf, zbuf, den_s, sem_d):
        c = lax.axis_index("c")
        t = lax.axis_index("s")
        g = c * _NT + t
        zf = lax.broadcast((t * 0).astype(jnp.float32), (16,))

        pltpu.sync_copy(asrc_hbm, asrc_v)
        pltpu.sync_copy(adst_hbm, adst_v)

        @pl.loop(0, rpt // 16)
        def _z(r):
            zbuf[pl.ds(r * 16, 16)] = zf

        pltpu.sync_copy(zbuf, den_s.at[pl.ds(t * rpt, rpt)])
        plsc.subcore_barrier()

        @pl.loop(0, nsw)
        def _strip(sp):
            e0 = g * ewc + sp * _SW
            r0 = g * (ewc // _K) + sp * nck
            pltpu.sync_copy(src_hbm.at[pl.ds(e0, _SW)], sbuf)
            pltpu.sync_copy(dst_hbm.at[pl.ds(r0, nck)], dbuf)

            @pl.loop(0, nck)
            def _chunk(j):
                for k8 in range(_K // 16):
                    off = j * _K + k8 * 16
                    s = sbuf[pl.ds(off, 16)]
                    d = dbuf[j, pl.ds(k8 * 16, 16)]
                    a = plsc.load_gather(asrc_v, [s])
                    b = plsc.load_gather(adst_v, [d])
                    e = a + b
                    e = jnp.where(e > 0, e, e * jnp.float32(0.2))
                    exbuf[j, pl.ds(k8 * 16, 16)] = jnp.exp(e)
                pltpu.async_copy(exbuf.at[j], den_s.at[dbuf.at[j]],
                                 sem_d, add=True).wait()

            pltpu.sync_copy(exbuf, exw_hbm.at[pl.ds(r0, nck)])

        plsc.subcore_barrier()
        pltpu.sync_copy(den_s.at[pl.ds(t * rpt, rpt)],
                        den_hbm.at[c, pl.ds(t * rpt, rpt)])

    return k(src, dst2, asrc, adst)


@functools.partial(jax.jit, static_argnames=("qoff", "npad", "dhq"))
def _sc_q(src, dst2, exw, denp, hsq, *, qoff, npad, dhq):
    epad = src.shape[0]
    ew = epad // _NT
    ns = ew // _SW
    nck = _SW // _K
    rpt = npad // _NT

    @functools.partial(
        pl.kernel,
        out_type=jax.ShapeDtypeStruct((2, npad, dhq), jnp.float32),
        mesh=_mesh(),
        compiler_params=_SC_PARAMS,
        scratch_types=[
            pltpu.VMEM((_SW,), jnp.int32),
            pltpu.VMEM((nck, _K), jnp.int32),
            pltpu.VMEM((nck, _K), jnp.float32),
            pltpu.VMEM((_SW,), jnp.int32),
            pltpu.VMEM((nck, _K), jnp.int32),
            pltpu.VMEM((nck, _K), jnp.float32),
            pltpu.VMEM((_K, dhq), jnp.float32),
            pltpu.VMEM((_K, dhq), jnp.float32),
            pltpu.VMEM((_K, dhq), jnp.float32),
            pltpu.VMEM((_K, dhq), jnp.float32),
            pltpu.VMEM((rpt,), jnp.float32),
            pltpu.VMEM((rpt,), jnp.float32),
            pltpu.VMEM_SHARED((npad, dhq), jnp.float32),
            pltpu.VMEM_SHARED((npad, dhq), jnp.float32),
            pltpu.SemaphoreType.DMA,
            pltpu.SemaphoreType.DMA,
            pltpu.SemaphoreType.DMA,
            pltpu.SemaphoreType.DMA,
            pltpu.SemaphoreType.DMA,
            pltpu.SemaphoreType.DMA,
            pltpu.SemaphoreType.DMA,
            pltpu.SemaphoreType.DMA,
            pltpu.SemaphoreType.DMA,
            pltpu.SemaphoreType.DMA,
        ],
    )
    def k(src_hbm, dst_hbm, exw_hbm, den_hbm, hsq_hbm, out_hbm,
          sbuf0, dbuf0, wstrip0, sbuf1, dbuf1, wstrip1,
          gbufA, gbufB, gbufC, gbufD, rec_l, tmp_l,
          hs_s, acc_s, sem_ga, sem_gb, sem_gc, sem_gd,
          sem_sa, sem_sb, sem_sc, sem_sd, sem_t0, sem_t1):
        c = lax.axis_index("c")
        t = lax.axis_index("s")
        si = 2 * qoff + c
        zf = lax.broadcast((t * 0).astype(jnp.float32), (16,))

        pltpu.sync_copy(hsq_hbm.at[si, pl.ds(t * rpt, rpt)],
                        hs_s.at[pl.ds(t * rpt, rpt)])

        @pl.loop(0, _K)
        def _zg(r):
            for cb in range(dhq // 16):
                gbufA[r, pl.ds(cb * 16, 16)] = zf

        for z in range(rpt // _K):
            pltpu.sync_copy(gbufA, acc_s.at[pl.ds(t * rpt + z * _K, _K)])

        pltpu.sync_copy(den_hbm.at[0, pl.ds(t * rpt, rpt)], rec_l)
        pltpu.sync_copy(den_hbm.at[1, pl.ds(t * rpt, rpt)], tmp_l)

        @pl.loop(0, rpt // 16)
        def _rec(cc):
            v = rec_l[pl.ds(cc * 16, 16)] + tmp_l[pl.ds(cc * 16, 16)]
            rec_l[pl.ds(cc * 16, 16)] = \
                jnp.float32(1.0) / (v + jnp.float32(1e-16))

        sets = ((sbuf0, dbuf0, wstrip0, sem_t0),
                (sbuf1, dbuf1, wstrip1, sem_t1))

        def _stage(sp, st):
            sb, db, ws, sem_t = st
            e0 = t * ew + sp * _SW
            r0 = t * (ew // _K) + sp * nck
            pltpu.async_copy(src_hbm.at[pl.ds(e0, _SW)], sb, sem_t)
            pltpu.async_copy(dst_hbm.at[pl.ds(r0, nck)], db, sem_t)
            pltpu.async_copy(exw_hbm.at[pl.ds(r0, nck)], ws, sem_t)

        _stage(0, sets[0])
        plsc.subcore_barrier()

        @pl.loop(0, ns // 2)
        def _strip2(g):
          for par in (0, 1):
            sp = 2 * g + par
            sbuf, dbuf, wstrip, sem_t = sets[par]
            pltpu.make_async_copy(src_hbm.at[pl.ds(0, _SW)], sbuf,
                                  sem_t).wait()
            pltpu.make_async_copy(dst_hbm.at[pl.ds(0, nck)], dbuf,
                                  sem_t).wait()
            pltpu.make_async_copy(exw_hbm.at[pl.ds(0, nck)], wstrip,
                                  sem_t).wait()

            @pl.when(sp + 1 < ns)
            def _pf(sp=sp, par=par):
                _stage(sp + 1, sets[1 - par])

            @pl.loop(0, nck // 4)
            def _pair(h):
                lanes = ((4 * h, gbufA, sem_ga, sem_sa),
                         (4 * h + 1, gbufB, sem_gb, sem_sb),
                         (4 * h + 2, gbufC, sem_gc, sem_sc),
                         (4 * h + 3, gbufD, sem_gd, sem_sd))
                cps = []
                for j, gb, sg, ss in lanes:
                    @pl.when(h > 0)
                    def _drain(gb=gb, j=j, ss=ss):
                        pltpu.make_async_copy(
                            gb, acc_s.at[dbuf.at[j]], ss).wait()

                    cps.append(pltpu.async_copy(
                        hs_s.at[sbuf.at[pl.ds(j * _K, _K)]], gb, sg))

                for (j, gb, sg, ss), cp_g in zip(lanes, cps):
                    cp_g.wait()

                    @pl.loop(0, _K, unroll=2)
                    def _scale(rr, j=j, gb=gb):
                        wv = plsc.load_gather(
                            wstrip, [lax.broadcast(j, (16,)),
                                     lax.broadcast(rr, (16,))])
                        for cb in range(dhq // 16):
                            gb[rr, pl.ds(cb * 16, 16)] = \
                                gb[rr, pl.ds(cb * 16, 16)] * wv

                    pltpu.async_copy(gb, acc_s.at[dbuf.at[j]], ss,
                                     add=True)

            pltpu.make_async_copy(gbufA, acc_s.at[dbuf.at[0]], sem_sa).wait()
            pltpu.make_async_copy(gbufB, acc_s.at[dbuf.at[1]], sem_sb).wait()
            pltpu.make_async_copy(gbufC, acc_s.at[dbuf.at[2]], sem_sc).wait()
            pltpu.make_async_copy(gbufD, acc_s.at[dbuf.at[3]], sem_sd).wait()

        plsc.subcore_barrier()
        for z in range(rpt // _K):
            r0 = t * rpt + z * _K
            gb = gbufA if z % 2 == 0 else gbufB
            pltpu.sync_copy(acc_s.at[pl.ds(r0, _K)], gb)

            @pl.loop(0, _K)
            def _norm(rr, z=z, gb=gb):
                wv = plsc.load_gather(
                    rec_l, [lax.broadcast(z * _K + rr, (16,))])
                for cb in range(dhq // 16):
                    gb[rr, pl.ds(cb * 16, 16)] = \
                        gb[rr, pl.ds(cb * 16, 16)] * wv

            pltpu.sync_copy(gb, out_hbm.at[c, pl.ds(r0, _K)])

    return k(src, dst2, exw, denp, hsq)



def _pad_rows(x, npad):
    return jnp.pad(x, ((0, npad - x.shape[0]), (0, 0)))


def _prep_edges(ei, npad):
    e = ei.shape[1]
    epad = 65536 * ((e + 65535) // 65536)
    srcp = jnp.pad(ei[0], (0, epad - e), constant_values=npad - 1)
    dstp = jnp.pad(ei[1], (0, epad - e), constant_values=npad - 1)
    return srcp, dstp.reshape(epad // _K, _K)


def _alpha_mat(vecs):
    m = jnp.stack(vecs, axis=1)
    return jnp.pad(m, ((0, 0), (0, 128 - m.shape[1])))


def _conv(edges, asrc, adst, hsq, npad):
    src, dst2 = edges
    nsplit, _, dhq = hsq.shape
    exw, denp = _sc_w(src, dst2, asrc, adst, npad=npad)
    return [_sc_q(src, dst2, exw, denp, hsq, qoff=q, npad=npad, dhq=dhq)
            for q in range(nsplit // 2)]


def kernel(x_paper, x_author, edge_index_cites, edge_index_writes,
           edge_index_rev, params):
    n = x_paper.shape[0]
    npad = 2048 * ((n + 2047) // 2048)
    xp = _pad_rows(x_paper, npad)
    xa = _pad_rows(x_author, npad)

    ec = _prep_edges(edge_index_cites, npad)
    ew = _prep_edges(edge_index_writes, npad)
    er = _prep_edges(edge_index_rev, npad)

    def fold(p):
        return p["W_src"] @ p["a_src"], p["W_dst"] @ p["a_dst"]

    pc, pw, pr = params["l0_cites"], params["l0_writes"], params["l0_rev"]
    u_c, v_c = fold(pc)
    u_w, v_w = fold(pw)
    u_r, v_r = fold(pr)
    alp_p = _mm(xp, _alpha_mat([u_c, v_c, v_w, u_r]))[0]
    alp_a = _mm(xa, _alpha_mat([u_w, v_r]))[0]

    accC = _conv(ec, alp_p[:, 0], alp_p[:, 1], _mm(xp, pc["W_src"], 4), npad)
    accW = _conv(ew, alp_a[:, 0], alp_p[:, 2], _mm(xa, pw["W_src"], 4), npad)
    accR = _conv(er, alp_p[:, 3], alp_a[:, 1], _mm(xp, pr["W_src"], 4), npad)

    p1 = _finalize([accC, accW], pc["bias"] + pw["bias"], relu=True)
    a1 = _finalize([accR], pr["bias"], relu=True)

    qc, qw = params["l1_cites"], params["l1_writes"]
    u1c, v1c = fold(qc)
    u1w, v1w = fold(qw)
    alp1p = _mm(p1, _alpha_mat([u1c, v1c, v1w]))[0]
    alp1a = _mm(a1, _alpha_mat([u1w]))[0]

    accC1 = _conv(ec, alp1p[:, 0], alp1p[:, 1], _mm(p1, qc["W_src"], 2), npad)
    accW1 = _conv(ew, alp1a[:, 0], alp1p[:, 2], _mm(a1, qw["W_src"], 2), npad)

    p2 = _finalize([accC1, accW1], qc["bias"] + qw["bias"], relu=False)
    return p2[:n]

# --- scband reference (transcript-rebuilt; emitter-appended) ---
"""Pipeline reference for scband-gat-44641890074986 (READ-ONLY COPY).

The authoritative reference and input builder live on the scoring server;
editing this copy changes nothing except your own understanding.
"""

import jax, jax.numpy as jnp
import numpy as np

N_PAPER = 10000
N_AUTHOR = 10000
E = 320000
D_IN = 128
HID = 256
OUT = 64
RELS = ["cites", "writes", "rev"]


def _init_params(key):
    params = {}
    dims = [(D_IN, HID), (HID, OUT)]
    c = 0
    for li, (din, dout) in enumerate(dims):
        for r in RELS:
            ks = [jax.random.fold_in(key, 100 + c * 8 + j) for j in range(4)]
            c += 1
            s = 1.0 / np.sqrt(din)
            params["l%d_%s" % (li, r)] = {
                "W_src": jax.random.normal(ks[0], (din, dout), dtype=jnp.float32) * s,
                "W_dst": jax.random.normal(ks[1], (din, dout), dtype=jnp.float32) * s,
                "a_src": jax.random.normal(ks[2], (dout,), dtype=jnp.float32) * s,
                "a_dst": jax.random.normal(ks[3], (dout,), dtype=jnp.float32) * s,
                "bias": jnp.zeros((dout,), dtype=jnp.float32),
            }
    return params


def setup_inputs(seed: int = 0):
    key = jax.random.key(seed)
    k = [jax.random.fold_in(key, i) for i in range(5)]
    return {
        "x_paper": jax.random.normal(k[0], (N_PAPER, D_IN), dtype=jnp.float32),
        "x_author": jax.random.normal(k[1], (N_AUTHOR, D_IN), dtype=jnp.float32),
        "edge_index_cites": jax.random.randint(k[2], (2, E), 0, N_PAPER, dtype=jnp.int32),
        "edge_index_writes": jax.random.randint(k[3], (2, E), 0, N_PAPER, dtype=jnp.int32),
        "edge_index_rev": jax.random.randint(k[4], (2, E), 0, N_AUTHOR, dtype=jnp.int32),
        "params": _init_params(key),
    }


def _leaky(x):
    return jnp.where(x > 0, x, 0.2 * x)


def _gat_conv(x_src, x_dst, ei, p, num_dst):
    # PyG GATConv, heads=1, add_self_loops=False, bipartite (src, dst) inputs
    hs = x_src @ p["W_src"]
    hd = x_dst @ p["W_dst"]
    src = ei[0]
    dst = ei[1]
    alpha_src = hs @ p["a_src"]
    alpha_dst = hd @ p["a_dst"]
    e = _leaky(alpha_src[src] + alpha_dst[dst])
    m = jax.ops.segment_max(e, dst, num_segments=num_dst)
    m = jnp.where(jnp.isfinite(m), m, 0.0)
    ex = jnp.exp(e - m[dst])
    den = jax.ops.segment_sum(ex, dst, num_segments=num_dst)
    alpha = ex / (den[dst] + 1e-16)
    out = jax.ops.segment_sum(alpha[:, None] * hs[src], dst, num_segments=num_dst)
    return out + p["bias"]


def _hetero_layer(xp, xa, ec, ew, er, params, li):
    # to_hetero: sum aggregation across edge types sharing a destination type
    out_p = _gat_conv(xp, xp, ec, params["l%d_cites" % li], N_PAPER) \
        + _gat_conv(xa, xp, ew, params["l%d_writes" % li], N_PAPER)
    out_a = _gat_conv(xp, xa, er, params["l%d_rev" % li], N_AUTHOR)
    return out_p, out_a


def reference(x_paper, x_author, edge_index_cites, edge_index_writes, edge_index_rev, params):
    p1, a1 = _hetero_layer(x_paper, x_author, edge_index_cites, edge_index_writes, edge_index_rev, params, 0)
    p1 = jax.nn.relu(p1)
    a1 = jax.nn.relu(a1)
    p2, _ = _hetero_layer(p1, a1, edge_index_cites, edge_index_writes, edge_index_rev, params, 1)
    return p2

if __name__ == "__main__":
    import jax
    _d = setup_inputs()
    print(jax.jit(kernel)(*tuple(_d.values())))

</pallas_src>

<mosaic_0001>
#map = affine_map<(d0, d1) -> (0)>
#map1 = affine_map<(d0, d1) -> (0, 0)>
module attributes {stable_mosaic.version = 14 : i64} {
  func.func @k(%arg0: i32, %arg1: i32, %arg2: memref<327680xi32, #tpu.memory_space<hbm>>, %arg3: memref<2560x128xi32, #tpu.memory_space<hbm>>, %arg4: memref<10240xf32, #tpu.memory_space<hbm>>, %arg5: memref<10240xf32, #tpu.memory_space<hbm>>, %arg6: memref<2560x128xf32, #tpu.memory_space<hbm>>, %arg7: memref<2x10240xf32, #tpu.memory_space<hbm>>, %arg8: memref<10240xf32, #tpu.memory_space<vmem>>, %arg9: memref<10240xf32, #tpu.memory_space<vmem>>, %arg10: memref<2048xi32, #tpu.memory_space<vmem>>, %arg11: memref<16x128xi32, #tpu.memory_space<vmem>>, %arg12: memref<16x128xf32, #tpu.memory_space<vmem>>, %arg13: memref<640xf32, #tpu.memory_space<vmem>>, %arg14: memref<10240xf32, #tpu.memory_space<vmem_shared>>, %arg15: memref<!tpu.dma_semaphore, #tpu.memory_space<semaphore_mem>>) attributes {dimension_semantics = [#tpu.dimension_semantics<core_parallel>, #tpu.dimension_semantics<subcore_parallel>], iteration_bounds = array<i64: 2, 16>, scalar_prefetch = 0 : i64, scratch_operands = 8 : i64, tpu.core_type = #tpu.core_type<sc_vector_subcore>, window_params = [{transform_indices = #map}, {transform_indices = #map1}, {transform_indices = #map}, {transform_indices = #map}, {transform_indices = #map1}, {transform_indices = #map1}]} {
    %mul3A = arith.constant 16 : i32
    %mul3A_0 = arith.muli %arg0, %mul3A : i32
    %add3A = arith.addi %mul3A_0, %arg1 : i32
    %mul3A_1 = arith.constant 0 : i32
    %mul3A_2 = arith.muli %arg1, %mul3A_1 : i32
    %convert_element_type3A = arith.sitofp %mul3A_2 : i32 to f32
    %broadcast_in_dim3A = vector.broadcast %convert_element_type3A : f32 to vector<16xf32>
    "tpu.region"() ({
      %run_scoped3A = tpu.sem_alloc : memref<!tpu.dma_semaphore, #tpu.memory_space<semaphore_mem>>
      tpu.enqueue_dma source(%arg4 : memref<10240xf32, #tpu.memory_space<hbm>>) target(%arg8 : memref<10240xf32, #tpu.memory_space<vmem>>) target_semaphore(%run_scoped3A : memref<!tpu.dma_semaphore, #tpu.memory_space<semaphore_mem>>)
      tpu.wait_dma2 semaphore(%run_scoped3A : memref<!tpu.dma_semaphore, #tpu.memory_space<semaphore_mem>>) src(%arg4 : memref<10240xf32, #tpu.memory_space<hbm>>) dst(%arg8 : memref<10240xf32, #tpu.memory_space<vmem>>)
      tpu.yield
    }) : () -> ()
    "tpu.region"() ({
      %run_scoped3A = tpu.sem_alloc : memref<!tpu.dma_semaphore, #tpu.memory_space<semaphore_mem>>
      tpu.enqueue_dma source(%arg5 : memref<10240xf32, #tpu.memory_space<hbm>>) target(%arg9 : memref<10240xf32, #tpu.memory_space<vmem>>) target_semaphore(%run_scoped3A : memref<!tpu.dma_semaphore, #tpu.memory_space<semaphore_mem>>)
      tpu.wait_dma2 semaphore(%run_scoped3A : memref<!tpu.dma_semaphore, #tpu.memory_space<semaphore_mem>>) src(%arg5 : memref<10240xf32, #tpu.memory_space<hbm>>) dst(%arg9 : memref<10240xf32, #tpu.memory_space<vmem>>)
      tpu.yield
    }) : () -> ()
    %scan3A = arith.constant 0 : i32
    %scan3A_3 = arith.constant 40 : i32
    %scan3A_4 = arith.addi %scan3A, %scan3A_3 : i32
    %scan3A_5 = arith.constant 1 : i32
    scf.for %scan3A_19 = %scan3A to %scan3A_4 step %scan3A_5  : i32 {
      %mul3A_20 = arith.constant 1 : i32
      %mul3A_21 = arith.muli %scan3A_19, %mul3A_20 : i32
      %add3A_22 = arith.constant 0 : i32
      %add3A_23 = arith.addi %add3A_22, %mul3A_21 : i32
      %mul3A_24 = arith.constant 16 : i32
      %mul3A_25 = arith.muli %add3A_23, %mul3A_24 : i32
      %swap3A = arith.index_cast %mul3A_25 : i32 to index
      %swap3A_26 = tpu.vector_load %arg13[%swap3A] {strides = array<i32>} : memref<640xf32, #tpu.memory_space<vmem>>, vector<16xf32>,
      tpu.vector_store %arg13[%swap3A], %broadcast_in_dim3A {strides = array<i32>} : memref<640xf32, #tpu.memory_space<vmem>>, vector<16xf32>,
    }
    %scan3A_6 = arith.constant 40 : i32
    %mul3A_7 = arith.constant 640 : i32
    %mul3A_8 = arith.muli %arg1, %mul3A_7 : i32
    "tpu.region"() ({
      %run_scoped3A = tpu.sem_alloc : memref<!tpu.dma_semaphore, #tpu.memory_space<semaphore_mem>>
      %dma_start3A = tpu.memref_slice %arg14[%mul3A_8] : memref<10240xf32, #tpu.memory_space<vmem_shared>> -> memref<640xf32, #tpu.memory_space<vmem_shared>>
      %dma_start3A_19 = tpu.memref_slice %arg14[%mul3A_8] : memref<10240xf32, #tpu.memory_space<vmem_shared>> -> memref<640xf32, #tpu.memory_space<vmem_shared>>
      tpu.enqueue_dma source(%arg13 : memref<640xf32, #tpu.memory_space<vmem>>) target(%dma_start3A_19 : memref<640xf32, #tpu.memory_space<vmem_shared>>) target_semaphore(%run_scoped3A : memref<!tpu.dma_semaphore, #tpu.memory_space<semaphore_mem>>)
      %dma_wait3A = tpu.memref_slice %arg14[%mul3A_8] : memref<10240xf32, #tpu.memory_space<vmem_shared>> -> memref<640xf32, #tpu.memory_space<vmem_shared>>
      %dma_wait3A_20 = tpu.memref_slice %arg14[%mul3A_8] : memref<10240xf32, #tpu.memory_space<vmem_shared>> -> memref<640xf32, #tpu.memory_space<vmem_shared>>
      tpu.wait_dma2 semaphore(%run_scoped3A : memref<!tpu.dma_semaphore, #tpu.memory_space<semaphore_mem>>) src(%arg13 : memref<640xf32, #tpu.memory_space<vmem>>) dst(%dma_wait3A_20 : memref<640xf32, #tpu.memory_space<vmem_shared>>)
      tpu.yield
    }) : () -> ()
    %barrier3A = arith.constant 0 : index
    tpu.barrier barrier_id(%barrier3A)
    %scan3A_9 = arith.constant 0 : i32
    %scan3A_10 = arith.constant 5 : i32
    %scan3A_11 = arith.addi %scan3A_9, %scan3A_10 : i32
    %scan3A_12 = arith.constant 1 : i32
    scf.for %scan3A_19 = %scan3A_9 to %scan3A_11 step %scan3A_12  : i32 {
      %mul3A_20 = arith.constant 1 : i32
      %mul3A_21 = arith.muli %scan3A_19, %mul3A_20 : i32
      %add3A_22 = arith.constant 0 : i32
      %add3A_23 = arith.addi %add3A_22, %mul3A_21 : i32
      %mul3A_24 = arith.constant 10240 : i32
      %mul3A_25 = arith.muli %add3A, %mul3A_24 : i32
      %mul3A_26 = arith.constant 2048 : i32
      %mul3A_27 = arith.muli %add3A_23, %mul3A_26 : i32
      %add3A_28 = arith.addi %mul3A_25, %mul3A_27 : i32
      %mul3A_29 = arith.constant 80 : i32
      %mul3A_30 = arith.muli %add3A, %mul3A_29 : i32
      %mul3A_31 = arith.constant 16 : i32
      %mul3A_32 = arith.muli %add3A_23, %mul3A_31 : i32
      %add3A_33 = arith.addi %mul3A_30, %mul3A_32 : i32
      "tpu.region"() ({
        %run_scoped3A = tpu.sem_alloc : memref<!tpu.dma_semaphore, #tpu.memory_space<semaphore_mem>>
        %dma_start3A = tpu.memref_slice %arg2[%add3A_28] : memref<327680xi32, #tpu.memory_space<hbm>> -> memref<2048xi32, #tpu.memory_space<hbm>>
        %dma_start3A_39 = tpu.memref_slice %arg2[%add3A_28] : memref<327680xi32, #tpu.memory_space<hbm>> -> memref<2048xi32, #tpu.memory_space<hbm>>
        tpu.enqueue_dma source(%dma_start3A_39 : memref<2048xi32, #tpu.memory_space<hbm>>) target(%arg10 : memref<2048xi32, #tpu.memory_space<vmem>>) target_semaphore(%run_scoped3A : memref<!tpu.dma_semaphore, #tpu.memory_space<semaphore_mem>>)
        %dma_wait3A = tpu.memref_slice %arg2[%add3A_28] : memref<327680xi32, #tpu.memory_space<hbm>> -> memref<2048xi32, #tpu.memory_space<hbm>>
        %dma_wait3A_40 = tpu.memref_slice %arg2[%add3A_28] : memref<327680xi32, #tpu.memory_space<hbm>> -> memref<2048xi32, #tpu.memory_space<hbm>>
        tpu.wait_dma2 semaphore(%run_scoped3A : memref<!tpu.dma_semaphore, #tpu.memory_space<semaphore_mem>>) src(%dma_wait3A_40 : memref<2048xi32, #tpu.memory_space<hbm>>) dst(%arg10 : memref<2048xi32, #tpu.memory_space<vmem>>)
        tpu.yield
      }) : () -> ()
      "tpu.region"() ({
        %run_scoped3A = tpu.sem_alloc : memref<!tpu.dma_semaphore, #tpu.memory_space<semaphore_mem>>
        %dma_start3A = arith.constant 0 : i32
        %dma_start3A_39 = tpu.memref_slice %arg3[%add3A_33, %dma_start3A] : memref<2560x128xi32, #tpu.memory_space<hbm>> -> memref<16x128xi32, #tpu.memory_space<hbm>>
        %dma_start3A_40 = arith.constant 0 : i32
        %dma_start3A_41 = tpu.memref_slice %arg3[%add3A_33, %dma_start3A_40] : memref<2560x128xi32, #tpu.memory_space<hbm>> -> memref<16x128xi32, #tpu.memory_space<hbm>>
        tpu.enqueue_dma source(%dma_start3A_41 : memref<16x128xi32, #tpu.memory_space<hbm>>) target(%arg11 : memref<16x128xi32, #tpu.memory_space<vmem>>) target_semaphore(%run_scoped3A : memref<!tpu.dma_semaphore, #tpu.memory_space<semaphore_mem>>)
        %dma_wait3A = arith.constant 0 : i32
        %dma_wait3A_42 = tpu.memref_slice %arg3[%add3A_33, %dma_wait3A] : memref<2560x128xi32, #tpu.memory_space<hbm>> -> memref<16x128xi32, #tpu.memory_space<hbm>>
        %dma_wait3A_43 = arith.constant 0 : i32
        %dma_wait3A_44 = tpu.memref_slice %arg3[%add3A_33, %dma_wait3A_43] : memref<2560x128xi32, #tpu.memory_space<hbm>> -> memref<16x128xi32, #tpu.memory_space<hbm>>
        tpu.wait_dma2 semaphore(%run_scoped3A : memref<!tpu.dma_semaphore, #tpu.memory_space<semaphore_mem>>) src(%dma_wait3A_44 : memref<16x128xi32, #tpu.memory_space<hbm>>) dst(%arg11 : memref<16x128xi32, #tpu.memory_space<vmem>>)
        tpu.yield
      }) : () -> ()
      %scan3A_34 = arith.constant 0 : i32
      %scan3A_35 = arith.constant 16 : i32
      %scan3A_36 = arith.addi %scan3A_34, %scan3A_35 : i32
      %scan3A_37 = arith.constant 1 : i32
      scf.for %scan3A_39 = %scan3A_34 to %scan3A_36 step %scan3A_37  : i32 {
        %mul3A_40 = arith.constant 1 : i32
        %mul3A_41 = arith.muli %scan3A_39, %mul3A_40 : i32
        %add3A_42 = arith.constant 0 : i32
        %add3A_43 = arith.addi %add3A_42, %mul3A_41 : i32
        %mul3A_44 = arith.constant 128 : i32
        %mul3A_45 = arith.muli %add3A_43, %mul3A_44 : i32
        %add3A_46 = arith.constant 0 : i32
        %add3A_47 = arith.addi %mul3A_45, %add3A_46 : i32
        %get3A = arith.index_cast %add3A_47 : i32 to index
        %get3A_48 = tpu.vector_load %arg10[%get3A] {strides = array<i32>} : memref<2048xi32, #tpu.memory_space<vmem>>, vector<16xi32>,
        %get3A_49 = arith.index_cast %add3A_43 : i32 to index
        %get3A_50 = arith.constant 0 : index
        %get3A_51 = tpu.vector_load %arg11[%get3A_49, %get3A_50] {strides = array<i32>} : memref<16x128xi32, #tpu.memory_space<vmem>>, vector<16xi32>,
        %gather3A = tpu.vector_load_idx %arg8[%get3A_48] : memref<10240xf32, #tpu.memory_space<vmem>>[vector<16xi32>], vector<16xf32>,
        %gather3A_52 = tpu.vector_load_idx %arg9[%get3A_51] : memref<10240xf32, #tpu.memory_space<vmem>>[vector<16xi32>], vector<16xf32>,
        %add3A_53 = arith.addf %gather3A, %gather3A_52 : vector<16xf32>
        %gt3A = arith.constant 0.000000e+00 : f32
        %gt3A_54 = vector.broadcast %gt3A : f32 to vector<16xf32>
        %gt3A_55 = arith.cmpf ogt, %add3A_53, %gt3A_54 : vector<16xf32>
        %mul3A_56 = arith.constant 2.000000e-01 : f32
        %mul3A_57 = vector.broadcast %mul3A_56 : f32 to vector<16xf32>
        %mul3A_58 = arith.mulf %add3A_53, %mul3A_57 : vector<16xf32>
        %select_n3A = arith.select %gt3A_55, %add3A_53, %mul3A_58 : vector<16xi1>, vector<16xf32>
        %exp3A = math.exp %select_n3A : vector<16xf32>
        %swap3A = arith.index_cast %add3A_43 : i32 to index
        %swap3A_59 = arith.constant 0 : index
        %swap3A_60 = tpu.vector_load %arg12[%swap3A, %swap3A_59] {strides = array<i32>} : memref<16x128xf32, #tpu.memory_space<vmem>>, vector<16xf32>,
        tpu.vector_store %arg12[%swap3A, %swap3A_59], %exp3A {strides = array<i32>} : memref<16x128xf32, #tpu.memory_space<vmem>>, vector<16xf32>,
        %mul3A_61 = arith.constant 128 : i32
        %mul3A_62 = arith.muli %add3A_43, %mul3A_61 : i32
        %add3A_63 = arith.constant 16 : i32
        %add3A_64 = arith.addi %mul3A_62, %add3A_63 : i32
        %get3A_65 = arith.index_cast %add3A_64 : i32 to index
        %get3A_66 = tpu.vector_load %arg10[%get3A_65] {strides = array<i32>} : memref<2048xi32, #tpu.memory_space<vmem>>, vector<16xi32>,
        %get3A_67 = arith.index_cast %add3A_43 : i32 to index
        %get3A_68 = arith.constant 16 : index
        %get3A_69 = tpu.vector_load %arg11[%get3A_67, %get3A_68] {strides = array<i32>} : memref<16x128xi32, #tpu.memory_space<vmem>>, vector<16xi32>,
        %gather3A_70 = tpu.vector_load_idx %arg8[%get3A_66] : memref<10240xf32, #tpu.memory_space<vmem>>[vector<16xi32>], vector<16xf32>,
        %gather3A_71 = tpu.vector_load_idx %arg9[%get3A_69] : memref<10240xf32, #tpu.memory_space<vmem>>[vector<16xi32>], vector<16xf32>,
        %add3A_72 = arith.addf %gather3A_70, %gather3A_71 : vector<16xf32>
        %gt3A_73 = arith.constant 0.000000e+00 : f32
        %gt3A_74 = vector.broadcast %gt3A_73 : f32 to vector<16xf32>
        %gt3A_75 = arith.cmpf ogt, %add3A_72, %gt3A_74 : vector<16xf32>
        %mul3A_76 = arith.constant 2.000000e-01 : f32
        %mul3A_77 = vector.broadcast %mul3A_76 : f32 to vector<16xf32>
        %mul3A_78 = arith.mulf %add3A_72, %mul3A_77 : vector<16xf32>
        %select_n3A_79 = arith.select %gt3A_75, %add3A_72, %mul3A_78 : vector<16xi1>, vector<16xf32>
        %exp3A_80 = math.exp %select_n3A_79 : vector<16xf32>
        %swap3A_81 = arith.index_cast %add3A_43 : i32 to index
        %swap3A_82 = arith.constant 16 : index
        %swap3A_83 = tpu.vector_load %arg12[%swap3A_81, %swap3A_82] {strides = array<i32>} : memref<16x128xf32, #tpu.memory_space<vmem>>, vector<16xf32>,
        tpu.vector_store %arg12[%swap3A_81, %swap3A_82], %exp3A_80 {strides = array<i32>} : memref<16x128xf32, #tpu.memory_space<vmem>>, vector<16xf32>,
        %mul3A_84 = arith.constant 128 : i32
        %mul3A_85 = arith.muli %add3A_43, %mul3A_84 : i32
        %add3A_86 = arith.constant 32 : i32
        %add3A_87 = arith.addi %mul3A_85, %add3A_86 : i32
        %get3A_88 = arith.index_cast %add3A_87 : i32 to index
        %get3A_89 = tpu.vector_load %arg10[%get3A_88] {strides = array<i32>} : memref<2048xi32, #tpu.memory_space<vmem>>, vector<16xi32>,
        %get3A_90 = arith.index_cast %add3A_43 : i32 to index
        %get3A_91 = arith.constant 32 : index
        %get3A_92 = tpu.vector_load %arg11[%get3A_90, %get3A_91] {strides = array<i32>} : memref<16x128xi32, #tpu.memory_space<vmem>>, vector<16xi32>,
        %gather3A_93 = tpu.vector_load_idx %arg8[%get3A_89] : memref<10240xf32, #tpu.memory_space<vmem>>[vector<16xi32>], vector<16xf32>,
        %gather3A_94 = tpu.vector_load_idx %arg9[%get3A_92] : memref<10240xf32, #tpu.memory_space<vmem>>[vector<16xi32>], vector<16xf32>,
        %add3A_95 = arith.addf %gather3A_93, %gather3A_94 : vector<16xf32>
        %gt3A_96 = arith.constant 0.000000e+00 : f32
        %gt3A_97 = vector.broadcast %gt3A_96 : f32 to vector<16xf32>
        %gt3A_98 = arith.cmpf ogt, %add3A_95, %gt3A_97 : vector<16xf32>
        %mul3A_99 = arith.constant 2.000000e-01 : f32
        %mul3A_100 = vector.broadcast %mul3A_99 : f32 to vector<16xf32>
        %mul3A_101 = arith.mulf %add3A_95, %mul3A_100 : vector<16xf32>
        %select_n3A_102 = arith.select %gt3A_98, %add3A_95, %mul3A_101 : vector<16xi1>, vector<16xf32>
        %exp3A_103 = math.exp %select_n3A_102 : vector<16xf32>
        %swap3A_104 = arith.index_cast %add3A_43 : i32 to index
        %swap3A_105 = arith.constant 32 : index
        %swap3A_106 = tpu.vector_load %arg12[%swap3A_104, %swap3A_105] {strides = array<i32>} : memref<16x128xf32, #tpu.memory_space<vmem>>, vector<16xf32>,
        tpu.vector_store %arg12[%swap3A_104, %swap3A_105], %exp3A_103 {strides = array<i32>} : memref<16x128xf32, #tpu.memory_space<vmem>>, vector<16xf32>,
        %mul3A_107 = arith.constant 128 : i32
        %mul3A_108 = arith.muli %add3A_43, %mul3A_107 : i32
        %add3A_109 = arith.constant 48 : i32
        %add3A_110 = arith.addi %mul3A_108, %add3A_109 : i32
        %get3A_111 = arith.index_cast %add3A_110 : i32 to index
        %get3A_112 = tpu.vector_load %arg10[%get3A_111] {strides = array<i32>} : memref<2048xi32, #tpu.memory_space<vmem>>, vector<16xi32>,
        %get3A_113 = arith.index_cast %add3A_43 : i32 to index
        %get3A_114 = arith.constant 48 : index
        %get3A_115 = tpu.vector_load %arg11[%get3A_113, %get3A_114] {strides = array<i32>} : memref<16x128xi32, #tpu.memory_space<vmem>>, vector<16xi32>,
        %gather3A_116 = tpu.vector_load_idx %arg8[%get3A_112] : memref<10240xf32, #tpu.memory_space<vmem>>[vector<16xi32>], vector<16xf32>,
        %gather3A_117 = tpu.vector_load_idx %arg9[%get3A_115] : memref<10240xf32, #tpu.memory_space<vmem>>[vector<16xi32>], vector<16xf32>,
        %add3A_118 = arith.addf %gather3A_116, %gather3A_117 : vector<16xf32>
        %gt3A_119 = arith.constant 0.000000e+00 : f32
        %gt3A_120 = vector.broadcast %gt3A_119 : f32 to vector<16xf32>
        %gt3A_121 = arith.cmpf ogt, %add3A_118, %gt3A_120 : vector<16xf32>
        %mul3A_122 = arith.constant 2.000000e-01 : f32
        %mul3A_123 = vector.broadcast %mul3A_122 : f32 to vector<16xf32>
        %mul3A_124 = arith.mulf %add3A_118, %mul3A_123 : vector<16xf32>
        %select_n3A_125 = arith.select %gt3A_121, %add3A_118, %mul3A_124 : vector<16xi1>, vector<16xf32>
        %exp3A_126 = math.exp %select_n3A_125 : vector<16xf32>
        %swap3A_127 = arith.index_cast %add3A_43 : i32 to index
        %swap3A_128 = arith.constant 48 : index
        %swap3A_129 = tpu.vector_load %arg12[%swap3A_127, %swap3A_128] {strides = array<i32>} : memref<16x128xf32, #tpu.memory_space<vmem>>, vector<16xf32>,
        tpu.vector_store %arg12[%swap3A_127, %swap3A_128], %exp3A_126 {strides = array<i32>} : memref<16x128xf32, #tpu.memory_space<vmem>>, vector<16xf32>,
        %mul3A_130 = arith.constant 128 : i32
        %mul3A_131 = arith.muli %add3A_43, %mul3A_130 : i32
        %add3A_132 = arith.constant 64 : i32
        %add3A_133 = arith.addi %mul3A_131, %add3A_132 : i32
        %get3A_134 = arith.index_cast %add3A_133 : i32 to index
        %get3A_135 = tpu.vector_load %arg10[%get3A_134] {strides = array<i32>} : memref<2048xi32, #tpu.memory_space<vmem>>, vector<16xi32>,
        %get3A_136 = arith.index_cast %add3A_43 : i32 to index
        %get3A_137 = arith.constant 64 : index
        %get3A_138 = tpu.vector_load %arg11[%get3A_136, %get3A_137] {strides = array<i32>} : memref<16x128xi32, #tpu.memory_space<vmem>>, vector<16xi32>,
        %gather3A_139 = tpu.vector_load_idx %arg8[%get3A_135] : memref<10240xf32, #tpu.memory_space<vmem>>[vector<16xi32>], vector<16xf32>,
        %gather3A_140 = tpu.vector_load_idx %arg9[%get3A_138] : memref<10240xf32, #tpu.memory_space<vmem>>[vector<16xi32>], vector<16xf32>,
        %add3A_141 = arith.addf %gather3A_139, %gather3A_140 : vector<16xf32>
        %gt3A_142 = arith.constant 0.000000e+00 : f32
        %gt3A_143 = vector.broadcast %gt3A_142 : f32 to vector<16xf32>
        %gt3A_144 = arith.cmpf ogt, %add3A_141, %gt3A_143 : vector<16xf32>
        %mul3A_145 = arith.constant 2.000000e-01 : f32
        %mul3A_146 = vector.broadcast %mul3A_145 : f32 to vector<16xf32>
        %mul3A_147 = arith.mulf %add3A_141, %mul3A_146 : vector<16xf32>
        %select_n3A_148 = arith.select %gt3A_144, %add3A_141, %mul3A_147 : vector<16xi1>, vector<16xf32>
        %exp3A_149 = math.exp %select_n3A_148 : vector<16xf32>
        %swap3A_150 = arith.index_cast %add3A_43 : i32 to index
        %swap3A_151 = arith.constant 64 : index
        %swap3A_152 = tpu.vector_load %arg12[%swap3A_150, %swap3A_151] {strides = array<i32>} : memref<16x128xf32, #tpu.memory_space<vmem>>, vector<16xf32>,
        tpu.vector_store %arg12[%swap3A_150, %swap3A_151], %exp3A_149 {strides = array<i32>} : memref<16x128xf32, #tpu.memory_space<vmem>>, vector<16xf32>,
        %mul3A_153 = arith.constant 128 : i32
        %mul3A_154 = arith.muli %add3A_43, %mul3A_153 : i32
        %add3A_155 = arith.constant 80 : i32
        %add3A_156 = arith.addi %mul3A_154, %add3A_155 : i32
        %get3A_157 = arith.index_cast %add3A_156 : i32 to index
        %get3A_158 = tpu.vector_load %arg10[%get3A_157] {strides = array<i32>} : memref<2048xi32, #tpu.memory_space<vmem>>, vector<16xi32>,
        %get3A_159 = arith.index_cast %add3A_43 : i32 to index
        %get3A_160 = arith.constant 80 : index
        %get3A_161 = tpu.vector_load %arg11[%get3A_159, %get3A_160] {strides = array<i32>} : memref<16x128xi32, #tpu.memory_space<vmem>>, vector<16xi32>,
        %gather3A_162 = tpu.vector_load_idx %arg8[%get3A_158] : memref<10240xf32, #tpu.memory_space<vmem>>[vector<16xi32>], vector<16xf32>,
        %gather3A_163 = tpu.vector_load_idx %arg9[%get3A_161] : memref<10240xf32, #tpu.memory_space<vmem>>[vector<16xi32>], vector<16xf32>,
        %add3A_164 = arith.addf %gather3A_162, %gather3A_163 : vector<16xf32>
        %gt3A_165 = arith.constant 0.000000e+00 : f32
        %gt3A_166 = vector.broadcast %gt3A_165 : f32 to vector<16xf32>
        %gt3A_167 = arith.cmpf ogt, %add3A_164, %gt3A_166 : vector<16xf32>
        %mul3A_168 = arith.constant 2.000000e-01 : f32
        %mul3A_169 = vector.broadcast %mul3A_168 : f32 to vector<16xf32>
        %mul3A_170 = arith.mulf %add3A_164, %mul3A_169 : vector<16xf32>
        %select_n3A_171 = arith.select %gt3A_167, %add3A_164, %mul3A_170 : vector<16xi1>, vector<16xf32>
        %exp3A_172 = math.exp %select_n3A_171 : vector<16xf32>
        %swap3A_173 = arith.index_cast %add3A_43 : i32 to index
        %swap3A_174 = arith.constant 80 : index
        %swap3A_175 = tpu.vector_load %arg12[%swap3A_173, %swap3A_174] {strides = array<i32>} : memref<16x128xf32, #tpu.memory_space<vmem>>, vector<16xf32>,
        tpu.vector_store %arg12[%swap3A_173, %swap3A_174], %exp3A_172 {strides = array<i32>} : memref<16x128xf32, #tpu.memory_space<vmem>>, vector<16xf32>,
        %mul3A_176 = arith.constant 128 : i32
        %mul3A_177 = arith.muli %add3A_43, %mul3A_176 : i32
        %add3A_178 = arith.constant 96 : i32
        %add3A_179 = arith.addi %mul3A_177, %add3A_178 : i32
        %get3A_180 = arith.index_cast %add3A_179 : i32 to index
        %get3A_181 = tpu.vector_load %arg10[%get3A_180] {strides = array<i32>} : memref<2048xi32, #tpu.memory_space<vmem>>, vector<16xi32>,
        %get3A_182 = arith.index_cast %add3A_43 : i32 to index
        %get3A_183 = arith.constant 96 : index
        %get3A_184 = tpu.vector_load %arg11[%get3A_182, %get3A_183] {strides = array<i32>} : memref<16x128xi32, #tpu.memory_space<vmem>>, vector<16xi32>,
        %gather3A_185 = tpu.vector_load_idx %arg8[%get3A_181] : memref<10240xf32, #tpu.memory_space<vmem>>[vector<16xi32>], vector<16xf32>,
        %gather3A_186 = tpu.vector_load_idx %arg9[%get3A_184] : memref<10240xf32, #tpu.memory_space<vmem>>[vector<16xi32>], vector<16xf32>,
        %add3A_187 = arith.addf %gather3A_185, %gather3A_186 : vector<16xf32>
        %gt3A_188 = arith.constant 0.000000e+00 : f32
        %gt3A_189 = vector.broadcast %gt3A_188 : f32 to vector<16xf32>
        %gt3A_190 = arith.cmpf ogt, %add3A_187, %gt3A_189 : vector<16xf32>
        %mul3A_191 = arith.constant 2.000000e-01 : f32
        %mul3A_192 = vector.broadcast %mul3A_191 : f32 to vector<16xf32>
        %mul3A_193 = arith.mulf %add3A_187, %mul3A_192 : vector<16xf32>
        %select_n3A_194 = arith.select %gt3A_190, %add3A_187, %mul3A_193 : vector<16xi1>, vector<16xf32>
        %exp3A_195 = math.exp %select_n3A_194 : vector<16xf32>
        %swap3A_196 = arith.index_cast %add3A_43 : i32 to index
        %swap3A_197 = arith.constant 96 : index
        %swap3A_198 = tpu.vector_load %arg12[%swap3A_196, %swap3A_197] {strides = array<i32>} : memref<16x128xf32, #tpu.memory_space<vmem>>, vector<16xf32>,
        tpu.vector_store %arg12[%swap3A_196, %swap3A_197], %exp3A_195 {strides = array<i32>} : memref<16x128xf32, #tpu.memory_space<vmem>>, vector<16xf32>,
        %mul3A_199 = arith.constant 128 : i32
        %mul3A_200 = arith.muli %add3A_43, %mul3A_199 : i32
        %add3A_201 = arith.constant 112 : i32
        %add3A_202 = arith.addi %mul3A_200, %add3A_201 : i32
        %get3A_203 = arith.index_cast %add3A_202 : i32 to index
        %get3A_204 = tpu.vector_load %arg10[%get3A_203] {strides = array<i32>} : memref<2048xi32, #tpu.memory_space<vmem>>, vector<16xi32>,
        %get3A_205 = arith.index_cast %add3A_43 : i32 to index
        %get3A_206 = arith.constant 112 : index
        %get3A_207 = tpu.vector_load %arg11[%get3A_205, %get3A_206] {strides = array<i32>} : memref<16x128xi32, #tpu.memory_space<vmem>>, vector<16xi32>,
        %gather3A_208 = tpu.vector_load_idx %arg8[%get3A_204] : memref<10240xf32, #tpu.memory_space<vmem>>[vector<16xi32>], vector<16xf32>,
        %gather3A_209 = tpu.vector_load_idx %arg9[%get3A_207] : memref<10240xf32, #tpu.memory_space<vmem>>[vector<16xi32>], vector<16xf32>,
        %add3A_210 = arith.addf %gather3A_208, %gather3A_209 : vector<16xf32>
        %gt3A_211 = arith.constant 0.000000e+00 : f32
        %gt3A_212 = vector.broadcast %gt3A_211 : f32 to vector<16xf32>
        %gt3A_213 = arith.cmpf ogt, %add3A_210, %gt3A_212 : vector<16xf32>
        %mul3A_214 = arith.constant 2.000000e-01 : f32
        %mul3A_215 = vector.broadcast %mul3A_214 : f32 to vector<16xf32>
        %mul3A_216 = arith.mulf %add3A_210, %mul3A_215 : vector<16xf32>
        %select_n3A_217 = arith.select %gt3A_213, %add3A_210, %mul3A_216 : vector<16xi1>, vector<16xf32>
        %exp3A_218 = math.exp %select_n3A_217 : vector<16xf32>
        %swap3A_219 = arith.index_cast %add3A_43 : i32 to index
        %swap3A_220 = arith.constant 112 : index
        %swap3A_221 = tpu.vector_load %arg12[%swap3A_219, %swap3A_220] {strides = array<i32>} : memref<16x128xf32, #tpu.memory_space<vmem>>, vector<16xf32>,
        tpu.vector_store %arg12[%swap3A_219, %swap3A_220], %exp3A_218 {strides = array<i32>} : memref<16x128xf32, #tpu.memory_space<vmem>>, vector<16xf32>,
        %dma_start3A = arith.constant 0 : i32
        %dma_start3A_222 = tpu.memref_slice %arg12[%add3A_43, %dma_start3A] : memref<16x128xf32, #tpu.memory_space<vmem>> -> memref<1x128xf32, #tpu.memory_space<vmem>>
        %dma_start3A_223 = tpu.memref_squeeze %dma_start3A_222 : memref<1x128xf32, #tpu.memory_space<vmem>> -> memref<128xf32, #tpu.memory_space<vmem>>
        %dma_start3A_224 = arith.constant 0 : i32
        %dma_start3A_225 = tpu.memref_slice %arg11[%add3A_43, %dma_start3A_224] : memref<16x128xi32, #tpu.memory_space<vmem>> -> memref<1x128xi32, #tpu.memory_space<vmem>>
        %dma_start3A_226 = tpu.memref_squeeze %dma_start3A_225 : memref<1x128xi32, #tpu.memory_space<vmem>> -> memref<128xi32, #tpu.memory_space<vmem>>
        %dma_start3A_227 = arith.constant 0 : i32
        %dma_start3A_228 = tpu.memref_slice %arg14[%dma_start3A_227] : memref<10240xf32, #tpu.memory_space<vmem_shared>> -> memref<10240xf32, #tpu.memory_space<vmem_shared>>
        tpu.enqueue_indirect_dma source(%dma_start3A_223 : memref<128xf32, #tpu.memory_space<vmem>>) target(%dma_start3A_228 : memref<10240xf32, #tpu.memory_space<vmem_shared>>) offsets(%dma_start3A_226 : memref<128xi32, #tpu.memory_space<vmem>>) semaphore(%arg15 : memref<!tpu.dma_semaphore, #tpu.memory_space<semaphore_mem>>) {add = true}
        %dma_wait3A = arith.constant 0 : i32
        %dma_wait3A_229 = tpu.memref_slice %arg12[%add3A_43, %dma_wait3A] : memref<16x128xf32, #tpu.memory_space<vmem>> -> memref<1x128xf32, #tpu.memory_space<vmem>>
        %dma_wait3A_230 = tpu.memref_squeeze %dma_wait3A_229 : memref<1x128xf32, #tpu.memory_space<vmem>> -> memref<128xf32, #tpu.memory_space<vmem>>
        %dma_wait3A_231 = arith.constant 0 : i32
        %dma_wait3A_232 = tpu.memref_slice %arg11[%add3A_43, %dma_wait3A_231] : memref<16x128xi32, #tpu.memory_space<vmem>> -> memref<1x128xi32, #tpu.memory_space<vmem>>
        %dma_wait3A_233 = tpu.memref_squeeze %dma_wait3A_232 : memref<1x128xi32, #tpu.memory_space<vmem>> -> memref<128xi32, #tpu.memory_space<vmem>>
        %dma_wait3A_234 = arith.constant 0 : i32
        %dma_wait3A_235 = tpu.memref_slice %arg14[%dma_wait3A_234] : memref<10240xf32, #tpu.memory_space<vmem_shared>> -> memref<10240xf32, #tpu.memory_space<vmem_shared>>
        tpu.wait_indirect_dma semaphore(%arg15 : memref<!tpu.dma_semaphore, #tpu.memory_space<semaphore_mem>>) src(%dma_wait3A_230 : memref<128xf32, #tpu.memory_space<vmem>>) dst(%dma_wait3A_235 : memref<10240xf32, #tpu.memory_space<vmem_shared>>)
      }
      %scan3A_38 = arith.constant 16 : i32
      "tpu.region"() ({
        %run_scoped3A = tpu.sem_alloc : memref<!tpu.dma_semaphore, #tpu.memory_space<semaphore_mem>>
        %dma_start3A = arith.constant 0 : i32
        %dma_start3A_39 = tpu.memref_slice %arg6[%add3A_33, %dma_start3A] : memref<2560x128xf32, #tpu.memory_space<hbm>> -> memref<16x128xf32, #tpu.memory_space<hbm>>
        %dma_start3A_40 = arith.constant 0 : i32
        %dma_start3A_41 = tpu.memref_slice %arg6[%add3A_33, %dma_start3A_40] : memref<2560x128xf32, #tpu.memory_space<hbm>> -> memref<16x128xf32, #tpu.memory_space<hbm>>
        tpu.enqueue_dma source(%arg12 : memref<16x128xf32, #tpu.memory_space<vmem>>) target(%dma_start3A_41 : memref<16x128xf32, #tpu.memory_space<hbm>>) target_semaphore(%run_scoped3A : memref<!tpu.dma_semaphore, #tpu.memory_space<semaphore_mem>>)
        %dma_wait3A = arith.constant 0 : i32
        %dma_wait3A_42 = tpu.memref_slice %arg6[%add3A_33, %dma_wait3A] : memref<2560x128xf32, #tpu.memory_space<hbm>> -> memref<16x128xf32, #tpu.memory_space<hbm>>
        %dma_wait3A_43 = arith.constant 0 : i32
        %dma_wait3A_44 = tpu.memref_slice %arg6[%add3A_33, %dma_wait3A_43] : memref<2560x128xf32, #tpu.memory_space<hbm>> -> memref<16x128xf32, #tpu.memory_space<hbm>>
        tpu.wait_dma2 semaphore(%run_scoped3A : memref<!tpu.dma_semaphore, #tpu.memory_space<semaphore_mem>>) src(%arg12 : memref<16x128xf32, #tpu.memory_space<vmem>>) dst(%dma_wait3A_44 : memref<16x128xf32, #tpu.memory_space<hbm>>)
        tpu.yield
      }) : () -> ()
    }
    %scan3A_13 = arith.constant 5 : i32
    %barrier3A_14 = arith.constant 0 : index
    tpu.barrier barrier_id(%barrier3A_14)
    %mul3A_15 = arith.constant 640 : i32
    %mul3A_16 = arith.muli %arg1, %mul3A_15 : i32
    %mul3A_17 = arith.constant 640 : i32
    %mul3A_18 = arith.muli %arg1, %mul3A_17 : i32
    "tpu.region"() ({
      %run_scoped3A = tpu.sem_alloc : memref<!tpu.dma_semaphore, #tpu.memory_space<semaphore_mem>>
      %dma_start3A = tpu.memref_slice %arg7[%arg0, %mul3A_18] : memref<2x10240xf32, #tpu.memory_space<hbm>> -> memref<1x640xf32, #tpu.memory_space<hbm>>
      %dma_start3A_19 = tpu.memref_squeeze %dma_start3A : memref<1x640xf32, #tpu.memory_space<hbm>> -> memref<640xf32, #tpu.memory_space<hbm>>
      %dma_start3A_20 = tpu.memref_slice %arg14[%mul3A_16] : memref<10240xf32, #tpu.memory_space<vmem_shared>> -> memref<640xf32, #tpu.memory_space<vmem_shared>>
      tpu.enqueue_dma source(%dma_start3A_20 : memref<640xf32, #tpu.memory_space<vmem_shared>>) target(%dma_start3A_19 : memref<640xf32, #tpu.memory_space<hbm>>) target_semaphore(%run_scoped3A : memref<!tpu.dma_semaphore, #tpu.memory_space<semaphore_mem>>)
      %dma_wait3A = tpu.memref_slice %arg7[%arg0, %mul3A_18] : memref<2x10240xf32, #tpu.memory_space<hbm>> -> memref<1x640xf32, #tpu.memory_space<hbm>>
      %dma_wait3A_21 = tpu.memref_squeeze %dma_wait3A : memref<1x640xf32, #tpu.memory_space<hbm>> -> memref<640xf32, #tpu.memory_space<hbm>>
      %dma_wait3A_22 = tpu.memref_slice %arg14[%mul3A_16] : memref<10240xf32, #tpu.memory_space<vmem_shared>> -> memref<640xf32, #tpu.memory_space<vmem_shared>>
      tpu.wait_dma2 semaphore(%run_scoped3A : memref<!tpu.dma_semaphore, #tpu.memory_space<semaphore_mem>>) src(%dma_wait3A_22 : memref<640xf32, #tpu.memory_space<vmem_shared>>) dst(%dma_wait3A_21 : memref<640xf32, #tpu.memory_space<hbm>>)
      tpu.yield
    }) : () -> ()
    return
  }
}

</mosaic_0001>

<sc_bundles>
// kernel: _sc_w.3.cloned.1.call-start
scs
__scs_entry_jumppad:
0x0: {  	(pc) =	sbr.rel $0x88, $3  }
0x1: {  	(tag) =	ssettag $0x0;
	lr =	simm.s32 $0x1  }
0x2: {  	[smem:$0x3F9D] =	sst lr;
	_ =	strace $0xD0000000  }
0x3: {  	_ = 	snop  }
0x4: {  	_ = 	snop  }
0x5: {  	_ = 	snop  }
0x6: {  	_ = 	snop  }
0x7: {  	_ = 	snop  }
__scs_overlays_trampoline_lowered:
0x8: {  	[smem:$0x3FAC] =	sst s0  }
0x9: {  	[smem:$0x3FAD] =	sst s1  }
0xa: {  	[smem:$0x3FAE] =	sst s2  }
0xb: {  	[smem:$0x3FAF] =	sst s3  }
0xc: {  	[smem:$0x3FB0] =	sst s4  }
0xd: {  	[smem:$0x3FB1] =	sst s5  }
0xe: {  	[smem:$0x3FB2] =	sst s6  }
0xf: {  	[smem:$0x3FB3] =	sst s7  }
0x10: {  	[smem:$0x3FB4] =	sst s8  }
0x11: {  	[smem:$0x3FB5] =	sst s9;
	s0 =	simm.s32 @!p0 $0x0  }
0x12: {  	s1 =	sld [smem:$0x3F9B];
	s0 =	simm.s32 @p0 $0x1  }
0x13: {  	[smem:$0x3FB6] =	sst s0;
	s0 =	simm.s32 @!p1 $0x0  }
0x14: {  	s2 =	sld [smem:$0x3F9A];
	s0 =	simm.s32 @p1 $0x1  }
0x15: {  	[smem:$0x3FB7] =	sst s0;
	s0 =	simm.s32 @!p2 $0x0  }
0x16: {  	s3 =	sld [smem:$0x3FDB];
	s0 =	simm.s32 @p2 $0x1  }
0x17: {  	s4 =	simm.s32 $0x1BF5;
	[smem:$0x3FB9] =	sst s0  }
0x18: {  	s0 =	sld [smem:$0x3F9C];
	_ =	swait.ge [sflag:s4], $0x0  }
0x19: {  	s7 =	sld [smem:$0x3F9D]  }
0x1a: {  	s8 =	sadd.s32 $0xFFFFE003, lr  }
0x1b: {  	s9 =	sadd.s32 $0xFFFFFEF7, lr;
	s5 =	simm.s32 $0xFFFFFFFF;
	p2 =	slt.u32 s8, $0xFFFFF086  }
0x1c: {  	p1 =	slt.u32 s9, $0xF7A;
	s5 =	simm.s32 @!p2 $0x0  }
0x1d: {  	s5 =	simm.s32 @p1 $0x1;
	p0 =	seq.s32 s7, s2  }
0x1e: {  	s7 =	smul.u32 @!p0 $0xF7A, s2;
	p2 =	seq.s32 @!p0 s5, $0x0  }
0x1f: {  	s9 =	smul.u32 $0xF7A, s1;
	s8 =	simm.s32 @!p0 $0x1BF5;
	p2 =	por !p2, p0  }
0x20: {  	[sflag:s8] =	ssyncset.s32 @!p0 $0xFFFFF086;
	s6 =	sadd.s32 @!p0 s3, s7;
	s7 =	simm.s32 @!p0 $0x108  }
0x21: {  	s3 =	sadd.s32 s3, s9;
	s6 =	sadd.s32 @!p0 $0x88, s6;
	s7 =	simm.s32 @p2 $0x1082  }
0x22: {  	[simem:s7], [sflag:s8] =	dma.local @!p0 [hbm:s6], $0xF7A  }
0x23: {  	s9 =	sor.u32 $0xD0000000, s2;
	s6 =	simm.s32 $0x108;
	_ =	swait.ge @!p0 [sflag:s8], $0x0  }
0x24: {  	s3 =	sadd.s32 $0x88, s3;
	s6 =	simm.s32 @!p1 $0x1082;
	[sflag:s4] =	ssyncset.s32 $0xFFFFF086  }
0x25: {  	[simem:s6], [sflag:s4] =	dma.local [hbm:s3], $0xF7A  }
0x26: {  	[smem:$0x3F9D] =	sst s1;
	(tag) =	ssettag s2;
	_ =	strace s9  }
0x27: {  	s1 =	sld [smem:$0x3FAD]  }
0x28: {  	s2 =	sld [smem:$0x3FAE]  }
0x29: {  	s4 =	sld [smem:$0x3FB0]  }
0x2a: {  	p0 =	seq.s32 s5, $0x0;
	s5 =	sld [smem:$0x3FB1]  }
0x2b: {  	s6 =	sld [smem:$0x3FB2]  }
0x2c: {  	s7 =	sld [smem:$0x3FB3]  }
0x2d: {  	s3 =	simm.s32 $0x108;
	s8 =	sld [smem:$0x3FB4]  }
0x2e: {  	s3 =	simm.s32 @!p0 $0x1082;
	s9 =	sld [smem:$0x3FB5]  }
0x2f: {  	lr =	sadd.s32 s0, s3;
	s0 =	sld [smem:$0x3FAC]  }
0x30: {  	s3 =	sld [smem:$0x3FAF]  }
0x31: {  	[smem:$0x3FB8] =	sst s10  }
0x32: {  	s10 =	sld [smem:$0x3FB6];
	_ =	sdelay $0x3  }
0x33: {  	p0 =	seq.s32 s10, $0x1;
	s10 =	sld [smem:$0x3FB8];
	_ =	sdelay $0x3  }
0x34: {  	[smem:$0x3FB8] =	sst s10  }
0x35: {  	s10 =	sld [smem:$0x3FB7];
	_ =	sdelay $0x3  }
0x36: {  	p1 =	seq.s32 s10, $0x1;
	s10 =	sld [smem:$0x3FB8];
	_ =	sdelay $0x3  }
0x37: {  	[smem:$0x3FB8] =	sst s10  }
0x38: {  	s10 =	sld [smem:$0x3FB9]  }
0x39: {  	_ = 	snop;
	(pc) =	sbr.ind lr, $3  }
0x3a: {  	_ = 	snop  }
0x3b: {  	_ = 	snop  }
0x3c: {  	p2 =	seq.s32 s10, $0x1;
	s10 =	sld [smem:$0x3FB8]  }
0x3d: {  	_ =	shalt  }
0x3e: {  	_ =	shalt  }
0x3f: {  	_ =	shalt  }
0x40: {  	_ =	shalt  }
0x41: {  	_ =	shalt  }
0x42: {  	_ =	shalt  }
0x43: {  	_ =	shalt  }
0x44: {  	_ =	shalt  }
0x45: {  	_ =	shalt  }
0x46: {  	_ =	shalt  }
0x47: {  	_ =	shalt  }
0x48: {  	_ =	shalt  }
0x49: {  	_ =	shalt  }
0x4a: {  	_ =	shalt  }
0x4b: {  	_ =	shalt  }
0x4c: {  	_ =	shalt  }
0x4d: {  	_ =	shalt  }
0x4e: {  	_ =	shalt  }
0x4f: {  	_ =	shalt  }
0x50: {  	_ =	shalt  }
0x51: {  	_ =	shalt  }
0x52: {  	_ =	shalt  }
0x53: {  	_ =	shalt  }
0x54: {  	_ =	shalt  }
0x55: {  	_ =	shalt  }
0x56: {  	_ =	shalt  }
0x57: {  	_ =	shalt  }
0x58: {  	_ =	shalt  }
0x59: {  	_ =	shalt  }
0x5a: {  	_ =	shalt  }
0x5b: {  	_ =	shalt  }
0x5c: {  	_ =	shalt  }
0x5d: {  	_ =	shalt  }
0x5e: {  	_ =	shalt  }
0x5f: {  	_ =	shalt  }
0x60: {  	_ =	shalt  }
0x61: {  	_ =	shalt  }
0x62: {  	_ =	shalt  }
0x63: {  	_ =	shalt  }
0x64: {  	_ =	shalt  }
0x65: {  	_ =	shalt  }
0x66: {  	_ =	shalt  }
0x67: {  	_ =	shalt  }
0x68: {  	_ =	shalt  }
0x69: {  	_ =	shalt  }
0x6a: {  	_ =	shalt  }
0x6b: {  	_ =	shalt  }
0x6c: {  	_ =	shalt  }
0x6d: {  	_ =	shalt  }
0x6e: {  	_ =	shalt  }
0x6f: {  	_ =	shalt  }
0x70: {  	_ =	shalt  }
0x71: {  	_ =	shalt  }
0x72: {  	_ =	shalt  }
0x73: {  	_ =	shalt  }
0x74: {  	_ =	shalt  }
0x75: {  	_ =	shalt  }
0x76: {  	_ =	shalt  }
0x77: {  	_ =	shalt  }
0x78: {  	_ =	shalt  }
0x79: {  	_ =	shalt  }
0x7a: {  	_ =	shalt  }
0x7b: {  	_ =	shalt  }
0x7c: {  	_ =	shalt  }
0x7d: {  	_ =	shalt  }
0x7e: {  	_ =	shalt  }
0x7f: {  	_ =	shalt  }
0x80: {  	_ =	shalt  }
0x81: {  	_ =	shalt  }
0x82: {  	_ =	shalt  }
0x83: {  	_ =	shalt  }
0x84: {  	_ =	shalt  }
0x85: {  	_ =	shalt  }
0x86: {  	_ =	shalt  }
0x87: {  	_ =	shalt  }
.Lfunc_end0:
.L_simem_size_0:
called_computation_lowered:
.L_overlay_start_0:
0x88: {  	s2 =	sld [smem:$0x3FD9]  }
0x89: {  	s3 =	sld [smem:$0x3FFE];
	_ =	sdelay $0x1  }
0x8a: {  	s1 =	srdreg.scid  }
0x8b: {  	s0 =	sand.u32 $0x1, s1  }
0x8c: {  	s14 =	sshll.u32 s0, $0xA;
	s2 =	sadd.s32 s3, s2  }
0x8d: {  	s2 =	sadd.s32 s2, s14  }
0x8e: {  	[smem:$0x3FC4] =	sst s2  }
0x8f: {  	_ = 	snop  }
0x90: {  	s2 =	sld [smem:$0x3FC9]  }
0x91: {  	s15 =	sld [smem:$0x3FD0]  }
0x92: {  	s4 =	sld [smem:$0x3FC8]  }
0x93: {  	s5 =	sld [smem:$0x3FC7]  }
0x94: {  	s7 =	simm.s32 $0xA;
	s8 =	simm.s32 $0x10;
	s6 =	sld [smem:$0x3FC6]  }
0x95: {  	[smem:s8], [sflag:s7] =	dma.local [hbm:s15], $0x1  }
0x96: {  	_ =	swait.eq [sflag:s7], $0x1  }
0x97: {  	[sflag:s7] =	ssyncset.done $0x0  }
0x98: {  	[sflag:s7] =	ssyncadd.s32 $0xFFFFFFFF  }
0x99: {  	s16 =	sld [smem:$0x10];
	(tm) =	ssettm $0x1  }
0x9a: {  	s17 =	sld [smem:$0x3FFB];
	_ =	sdelay $0x3  }
0x9b: {  	_ =	strace s17  }
0x9c: {  	s7 =	sld [smem:$0x3FFC];
	_ =	sdelay $0x3  }
0x9d: {  	_ =	strace s7  }
0x9e: {  	s7 =	sld [smem:$0x3FFD];
	_ =	sdelay $0x3  }
0x9f: {  	_ =	strace s7  }
0xa0: {  	_ =	strace $0x8FFFFFFF  }
0xa1: {  	s18 =	sld [smem:$0x3FDB];
	_ =	sdelay $0x1  }
0xa2: {  	s19 =	simm.s32 $_scs_section_size  }
0xa3: {  	s9 =	simm.s32 $_size__tile_overlayer_lowered;
	s10 =	simm.s32 $_tile_overlayer_lowered  }
0xa4: {  	s22 =	simm.s32 $0x1BFF;
	s21 =	sshll.u32 s10, $0x1;
	s7 =	sadd.s32 s19, s18  }
0xa5: {  	s11 =	simm.s32 $0x0;
	s20 =	sshll.u32 s9, $0x1;
	s9 =	sadd.s32 s21, s7  }
0xa6: {  	[timem:s11], [sflag:s22] =	dma.local [hbm:s9], s20  }
0xa7: {  	_ =	swait.ge [sflag:s22], s20  }
0xa8: {  	s8 =	ssub.s32 $0x0, s20;
	[sflag:s22] =	ssyncset.done $0x0  }
0xa9: {  	[sflag:s22] =	ssyncadd.s32 s8;
	_ =	sdelay $0x1  }
0xaa: {  	s23 =	simm.s32 $0x1B8B  }
0xab: {  	_ =	swait.ge [sflag:s23], $0x1  }
0xac: {  	[sflag:s23] =	ssyncset.done $0x0  }
0xad: {  	s25 =	simm.s32 $0x1B8E;
	s24 =	sld [smem:$0x3FFE];
	[sflag:s23] =	ssyncadd.s32 $0xFFFFFFFF  }
0xae: {  	s26 =	simm.s32 $execute0_lowered;
	[smem:$0x3FD2] =	sst s25  }
0xaf: {  	s9 =	sshll.u32 s26, $0x1;
	_ =	strace $0x80000046;
	[dreg:$0x1] =	wrdreg $0xFFFFFFFF  }
0xb0: {  	s28 =	simm.s32 $_size_execute0_lowered;
	s7 =	sadd.s32 s7, s9;
	[dreg:$0x0] =	wrdreg $0x0  }
0xb1: {  	s9 =	sshll.u32 s28, $0x1;
	[dreg:$0x2] =	wrdreg s7  }
0xb2: {  	[dreg:$0x3] =	wrdreg s9  }
0xb3: {  	[dreg:$0x4] =	wrdreg $0xC0  }
0xb4: {  	_ =	task [dreg:s11], $0x5FFFF  }
0xb5: {  	[dreg:$0x1] =	wrdreg $0xFFFFFFFF  }
0xb6: {  	[dreg:$0x0] =	wrdreg $0x60  }
0xb7: {  	[dreg:$0x2] =	wrdreg s2  }
0xb8: {  	[dreg:$0x3] =	wrdreg s4  }
0xb9: {  	[dreg:$0x4] =	wrdreg s5  }
0xba: {  	[dreg:$0x5] =	wrdreg s6  }
0xbb: {  	[dreg:$0x6] =	wrdreg s16  }
0xbc: {  	[dreg:$0x7] =	wrdreg s24  }
0xbd: {  	[dreg:$0x8] =	wrdreg $0x6A800  }
0xbe: {  	[dreg:$0x9] =	wrdreg $0x9  }
0xbf: {  	_ =	task.clear_ibuf [dreg:s11], $0xAFFFF;
	_ =	strace $0x90000046  }
0xc0: {  	s29 =	simm.s32 $0x9;
	_ =	strace $0x80000048  }
0xc1: {  	_ =	swait.ge [sflag:s29], $0x1  }
0xc2: {  	[sflag:s29] =	ssyncadd.s32 $0xFFFFFFFF  }
0xc3: {  	_ =	strace $0x90000048  }
0xc4: {  	_ =	sfence  }
0xc5: {  	s30 =	sld [smem:$0x0];
	_ =	sdelay $0x2  }
0xc6: {  	s31 =	sshll.u32 s1, $0xD;
	s1 =	sshrl.u32 s1, $0x2  }
0xc7: {  	s3 =	sand.u32 $0x4000, s31;
	s1 =	sadd.s32 s1, s30  }
0xc8: {  	s0 =	sor.u32 s3, s0;
	s1 =	sshll.u32 s1, $0x11  }
0xc9: {  	s0 =	sor.u32 s1, s0  }
0xca: {  	s0 =	sadd.s32 $0x8F2B, s0  }
0xcb: {  	[sflag:s0] =	ssyncadd.remote.s32 $0x1  }
0xcc: {  	_ =	sfence.sel $0xFFFF  }
0xcd: {  	[dreg:$0x0] =	wrdreg $0xFFFFFFFF;
	(pc) =	sbr.abs _section_cstart, $3  }
0xce: {  	[dreg:$0x1] =	wrdreg $0xFFFFFFFF  }
0xcf: {  	_ =	task.clear_ibuf [dreg:s11], $0x2FFFF;
	_ =	strace $0x9FFFFFFF  }
0xd0: {  	(tm) =	ssettm $0x7FFFFFFF  }
0xd1: {  	_ =	shalt  }
tec
execute0_lowered:
.L_overlay_start_1:
0x0: {  	(tag) =	ssettag $0x1  }
0x1: {  	s0 =	rddreg [dreg:$0x0]  }
0x2: {  	s1 =	rddreg [dreg:$0x1]  }
0x3: {  	s3 =	rddreg [dreg:$0x2]  }
0x4: {  	s4 =	rddreg [dreg:$0x3]  }
0x5: {  	s5 =	rddreg [dreg:$0x4]  }
0x6: {  	s6 =	srdreg.scid;
	s9 =	rddreg [dreg:$0x5]  }
0x7: {  	s2 =	stileid.u32;
	s7 =	rddreg [dreg:$0x6];
	s8 =	simm.s32 $0x0  }
0x8: {  	s14 =	simm.s32 $0x2800;
	s15 =	simm.s32 $0x6800;
	s16 =	simm.s32 $0x5000  }
0x9: {  	s17 =	simm.s32 $0x5800;
	s18 =	simm.s32 $0x80;
	s19 =	simm.s32 $0x1  }
0xa: {  	s20 =	simm.s32 $0x6000;
	s10 =	sand.u32 $0x1, s6;
	s11 =	smul.u32 $0x280, s2  }
0xb: {  	s23 =	simm.s32 $0x0;
	[smem:$0x7FF] =	sst s8;
	s12 =	smul.u32 $0x2800, s10  }
0xc: {  	s6 =	rddreg [dreg:$0x7];
	s21 =	sshll.u32 s2, $0x6;
	_ =	strace $0x80000047  }
0xd: {  	s13 =	ssub.s32 $0x2, s10;
	s10 =	sshll.u32 s10, $0x4;
	s12 =	sadd.s32 s11, s12  }
0xe: {  	s21 =	sor.u32 $0x1C02, s21;
	s31 =	sshrl.u32 s13, $0x1;
	s12 =	sshrl.u32 s12, $0x3  }
0xf: {  	s10 =	sor.u32 s2, s10;
	s13 =	ssub.s32 s13, s31;
	s12 =	sadd.s32 s12, s9  }
0x10: {  	s10 =	smul.u32 $0x2800, s10;
	s9 =	sadd.s32 s11, s7;
	s11 =	sadd.s32 $0x800, s12  }
0x11: {  	v0 =	vimm.f32 $0.0e+00;
	s12 =	smax.u32 s13, $0x1;
	s13 =	simm.s32 $0x2;
	s22 =	sshrl.u32 s9, $0x3  }
.LBB2_1:
0x12: {  	[tilespmem:s8], [sflag:$0x2] =	stream.linear.gather [hbm4b:s3+s8], $0x2800, $0x38;
	[tilespmem:$0x6D00] =	vst v63  }
0x13: {  	_ =	swait.ge [sflag:s13], $0x2800  }
0x14: {  	[sflag:s13] =	ssyncset.done $0x0  }
0x15: {  	[sflag:s13] =	ssyncadd.s32 $0xFFFFD800  }
0x16: {  	[tilespmem:s14], [sflag:$0x2] =	stream.linear.gather [hbm4b:s4+s8], $0x2800, $0x38;
	[tilespmem:$0x6D00] =	vst v63  }
0x17: {  	_ =	swait.ge [sflag:s13], $0x2800  }
0x18: {  	[sflag:s13] =	ssyncset.done $0x0  }
0x19: {  	[sflag:s13] =	ssyncadd.s32 $0xFFFFD800  }
0x1a: {  	[tilespmem:$0x6800] =	vst v0  }
0x1b: {  	[tilespmem:$0x6810] =	vst v0  }
0x1c: {  	[tilespmem:$0x6820] =	vst v0  }
0x1d: {  	[tilespmem:$0x6830] =	vst v0  }
0x1e: {  	[tilespmem:$0x6840] =	vst v0  }
0x1f: {  	[tilespmem:$0x6850] =	vst v0  }
0x20: {  	[tilespmem:$0x6860] =	vst v0  }
0x21: {  	[tilespmem:$0x6870] =	vst v0  }
0x22: {  	[tilespmem:$0x6880] =	vst v0  }
0x23: {  	[tilespmem:$0x6890] =	vst v0  }
0x24: {  	[tilespmem:$0x68A0] =	vst v0  }
0x25: {  	[tilespmem:$0x68B0] =	vst v0  }
0x26: {  	[tilespmem:$0x68C0] =	vst v0  }
0x27: {  	[tilespmem:$0x68D0] =	vst v0  }
0x28: {  	[tilespmem:$0x68E0] =	vst v0  }
0x29: {  	[tilespmem:$0x68F0] =	vst v0  }
0x2a: {  	[tilespmem:$0x6900] =	vst v0  }
0x2b: {  	[tilespmem:$0x6910] =	vst v0  }
0x2c: {  	[tilespmem:$0x6920] =	vst v0  }
0x2d: {  	[tilespmem:$0x6930] =	vst v0  }
0x2e: {  	[tilespmem:$0x6940] =	vst v0  }
0x2f: {  	[tilespmem:$0x6950] =	vst v0  }
0x30: {  	[tilespmem:$0x6960] =	vst v0  }
0x31: {  	[tilespmem:$0x6970] =	vst v0  }
0x32: {  	[tilespmem:$0x6980] =	vst v0  }
0x33: {  	[tilespmem:$0x6990] =	vst v0  }
0x34: {  	[tilespmem:$0x69A0] =	vst v0  }
0x35: {  	[tilespmem:$0x69B0] =	vst v0  }
0x36: {  	[tilespmem:$0x69C0] =	vst v0  }
0x37: {  	[tilespmem:$0x69D0] =	vst v0  }
0x38: {  	[tilespmem:$0x69E0] =	vst v0  }
0x39: {  	[tilespmem:$0x69F0] =	vst v0  }
0x3a: {  	[tilespmem:$0x6A00] =	vst v0  }
0x3b: {  	[tilespmem:$0x6A10] =	vst v0  }
0x3c: {  	[tilespmem:$0x6A20] =	vst v0  }
0x3d: {  	[tilespmem:$0x6A30] =	vst v0  }
0x3e: {  	[tilespmem:$0x6A40] =	vst v0  }
0x3f: {  	[tilespmem:$0x6A50] =	vst v0  }
0x40: {  	[tilespmem:$0x6A60] =	vst v0  }
0x41: {  	[tilespmem:$0x6A70] =	vst v0  }
0x42: {  	[spmem:s9] =	stream.linear.scatter [tilespmem:s15], [sflag:$0x2], $0x280, $0x38;
	[tilespmem:$0x6D00] =	vst v63  }
0x43: {  	_ =	swait.ge [sflag:s13], $0x280  }
0x44: {  	[sflag:s13] =	ssyncset.done $0x0  }
0x45: {  	[sflag:s13] =	ssyncadd.s32 $0xFFFFFD80  }
0x46: {  	s24 =	simm.s32 $0x0;
	[bflag:$0x0] =	sbarrier.arrive $0xFFFF  }
.LBB2_2:
0x47: {  	s25 =	sshll.u32 s24, $0xB  }
0x48: {  	s25 =	sadd.s32 s10, s25  }
0x49: {  	s25 =	sshrl.u32 s25, $0x3  }
0x4a: {  	s28 =	simm.s32 $0x0;
	s26 =	sadd.s32 s0, s25  }
0x4b: {  	[tilespmem:s16], [sflag:$0x2] =	stream.linear.gather [hbm4b:s26+s28], $0x800, $0x38;
	[tilespmem:$0x6D00] =	vst v63  }
0x4c: {  	_ =	swait.ge [sflag:s13], $0x800  }
0x4d: {  	[sflag:s13] =	ssyncset.done $0x0  }
0x4e: {  	s31 =	sadd.s32 s1, s25;
	[sflag:s13] =	ssyncadd.s32 $0xFFFFF800  }
0x4f: {  	[tilespmem:s17], [sflag:$0x2] =	stream.linear.gather [hbm4b:s31+s28], $0x800, $0x38;
	[tilespmem:$0x6D00] =	vst v63  }
0x50: {  	_ =	swait.ge [sflag:s13], $0x800  }
0x51: {  	[sflag:s13] =	ssyncset.done $0x0  }
0x52: {  	s26 =	simm.s32 $0x0;
	[sflag:s13] =	ssyncadd.s32 $0xFFFFF800  }
0x53: {  	v1 =	vld [tilespmem:s26+$0x5000]  }
0x54: {  	v2 =	vld [tilespmem:s26+$0x5800];
	_ =	sdelay $0x6  }
0x55: {  	v1 =	vld.idx.msk [tilespmem:v1+s8+$0x0], $0xffff  }
0x56: {  	v2 =	vld.idx.msk [tilespmem:v2+s14+$0x0], $0xffff;
	_ =	sdelay $0x4  }
0x57: {  	v1 =	vadd.f32 v2, v1;
	_ =	sdelay $0x1  }
0x58: {  	v2 =	vmul.f32 $2.000000030e-01, v1  }
0x59: {  	vm0 =	vgt.f32 v1, $0.0e+00  }
0x5a: {  	v1 =	vsel vm0, v1, v2  }
0x5b: {  	v1 =	vmul.f32 $1.442695020e+00, v1;
	_ =	sdelay $0x1  }
0x5c: {  	(erf) = vpow2.f32 v1;
	_ =	sdelay $0x2  }
0x5d: {  	v1 =	vld [tilespmem:s26+$0x5010]  }
0x5e: {  	v2 =	vld [tilespmem:s26+$0x5810];
	_ =	sdelay $0x4  }
0x5f: {  	v3 =	vpop (erf)  }
0x60: {  	[tilespmem:s26+$0x6000] =	vst v3  }
0x61: {  	v1 =	vld.idx.msk [tilespmem:v1+s8+$0x0], $0xffff  }
0x62: {  	v2 =	vld.idx.msk [tilespmem:v2+s14+$0x0], $0xffff;
	_ =	sdelay $0x4  }
0x63: {  	v1 =	vadd.f32 v2, v1;
	_ =	sdelay $0x1  }
0x64: {  	v2 =	vmul.f32 $2.000000030e-01, v1  }
0x65: {  	vm9 =	vgt.f32 v1, $0.0e+00  }
0x66: {  	v1 =	vsel vm9, v1, v2  }
0x67: {  	v1 =	vmul.f32 $1.442695020e+00, v1;
	_ =	sdelay $0x1  }
0x68: {  	(erf) = vpow2.f32 v1;
	_ =	sdelay $0x2  }
0x69: {  	v1 =	vld [tilespmem:s26+$0x5020]  }
0x6a: {  	v2 =	vld [tilespmem:s26+$0x5820];
	_ =	sdelay $0x4  }
0x6b: {  	v3 =	vpop (erf)  }
0x6c: {  	[tilespmem:s26+$0x6010] =	vst v3  }
0x6d: {  	v1 =	vld.idx.msk [tilespmem:v1+s8+$0x0], $0xffff  }
0x6e: {  	v2 =	vld.idx.msk [tilespmem:v2+s14+$0x0], $0xffff;
	_ =	sdelay $0x4  }
0x6f: {  	v1 =	vadd.f32 v2, v1;
	_ =	sdelay $0x1  }
0x70: {  	v2 =	vmul.f32 $2.000000030e-01, v1  }
0x71: {  	vm10 =	vgt.f32 v1, $0.0e+00  }
0x72: {  	v1 =	vsel vm10, v1, v2  }
0x73: {  	v1 =	vmul.f32 $1.442695020e+00, v1;
	_ =	sdelay $0x1  }
0x74: {  	(erf) = vpow2.f32 v1;
	_ =	sdelay $0x2  }
0x75: {  	v1 =	vld [tilespmem:s26+$0x5030]  }
0x76: {  	v2 =	vld [tilespmem:s26+$0x5830];
	_ =	sdelay $0x4  }
0x77: {  	v3 =	vpop (erf)  }
0x78: {  	[tilespmem:s26+$0x6020] =	vst v3  }
0x79: {  	v1 =	vld.idx.msk [tilespmem:v1+s8+$0x0], $0xffff  }
0x7a: {  	v2 =	vld.idx.msk [tilespmem:v2+s14+$0x0], $0xffff;
	_ =	sdelay $0x4  }
0x7b: {  	v1 =	vadd.f32 v2, v1;
	_ =	sdelay $0x1  }
0x7c: {  	v2 =	vmul.f32 $2.000000030e-01, v1  }
0x7d: {  	vm11 =	vgt.f32 v1, $0.0e+00  }
0x7e: {  	v1 =	vsel vm11, v1, v2  }
0x7f: {  	v1 =	vmul.f32 $1.442695020e+00, v1;
	_ =	sdelay $0x1  }
0x80: {  	(erf) = vpow2.f32 v1;
	_ =	sdelay $0x2  }
0x81: {  	v1 =	vld [tilespmem:s26+$0x5040]  }
0x82: {  	v2 =	vld [tilespmem:s26+$0x5840];
	_ =	sdelay $0x4  }
0x83: {  	v3 =	vpop (erf)  }
0x84: {  	[tilespmem:s26+$0x6030] =	vst v3  }
0x85: {  	v1 =	vld.idx.msk [tilespmem:v1+s8+$0x0], $0xffff  }
0x86: {  	v2 =	vld.idx.msk [tilespmem:v2+s14+$0x0], $0xffff;
	_ =	sdelay $0x4  }
0x87: {  	v1 =	vadd.f32 v2, v1;
	_ =	sdelay $0x1  }
0x88: {  	v2 =	vmul.f32 $2.000000030e-01, v1  }
0x89: {  	vm12 =	vgt.f32 v1, $0.0e+00  }
0x8a: {  	v1 =	vsel vm12, v1, v2  }
0x8b: {  	v1 =	vmul.f32 $1.442695020e+00, v1;
	_ =	sdelay $0x1  }
0x8c: {  	(erf) = vpow2.f32 v1;
	_ =	sdelay $0x2  }
0x8d: {  	v1 =	vld [tilespmem:s26+$0x5050]  }
0x8e: {  	v2 =	vld [tilespmem:s26+$0x5850];
	_ =	sdelay $0x4  }
0x8f: {  	v3 =	vpop (erf)  }
0x90: {  	[tilespmem:s26+$0x6040] =	vst v3  }
0x91: {  	v1 =	vld.idx.msk [tilespmem:v1+s8+$0x0], $0xffff  }
0x92: {  	v2 =	vld.idx.msk [tilespmem:v2+s14+$0x0], $0xffff;
	_ =	sdelay $0x4  }
0x93: {  	v1 =	vadd.f32 v2, v1;
	_ =	sdelay $0x1  }
0x94: {  	v2 =	vmul.f32 $2.000000030e-01, v1  }
0x95: {  	vm13 =	vgt.f32 v1, $0.0e+00  }
0x96: {  	v1 =	vsel vm13, v1, v2  }
0x97: {  	v1 =	vmul.f32 $1.442695020e+00, v1;
	_ =	sdelay $0x1  }
0x98: {  	(erf) = vpow2.f32 v1;
	_ =	sdelay $0x2  }
0x99: {  	v1 =	vld [tilespmem:s26+$0x5060]  }
0x9a: {  	v2 =	vld [tilespmem:s26+$0x5860];
	_ =	sdelay $0x4  }
0x9b: {  	v3 =	vpop (erf)  }
0x9c: {  	[tilespmem:s26+$0x6050] =	vst v3  }
0x9d: {  	v1 =	vld.idx.msk [tilespmem:v1+s8+$0x0], $0xffff  }
0x9e: {  	v2 =	vld.idx.msk [tilespmem:v2+s14+$0x0], $0xffff;
	_ =	sdelay $0x4  }
0x9f: {  	v1 =	vadd.f32 v2, v1;
	_ =	sdelay $0x1  }
0xa0: {  	v2 =	vmul.f32 $2.000000030e-01, v1  }
0xa1: {  	vm14 =	vgt.f32 v1, $0.0e+00  }
0xa2: {  	v1 =	vsel vm14, v1, v2  }
0xa3: {  	v1 =	vmul.f32 $1.442695020e+00, v1;
	_ =	sdelay $0x1  }
0xa4: {  	(erf) = vpow2.f32 v1;
	_ =	sdelay $0x2  }
0xa5: {  	v1 =	vld [tilespmem:s26+$0x5070]  }
0xa6: {  	v2 =	vld [tilespmem:s26+$0x5870];
	_ =	sdelay $0x4  }
0xa7: {  	v3 =	vpop (erf)  }
0xa8: {  	[tilespmem:s26+$0x6060] =	vst v3  }
0xa9: {  	v1 =	vld.idx.msk [tilespmem:v1+s8+$0x0], $0xffff  }
0xaa: {  	v2 =	vld.idx.msk [tilespmem:v2+s14+$0x0], $0xffff;
	_ =	sdelay $0x4  }
0xab: {  	v1 =	vadd.f32 v2, v1;
	_ =	sdelay $0x1  }
0xac: {  	v2 =	vmul.f32 $2.000000030e-01, v1  }
0xad: {  	vm15 =	vgt.f32 v1, $0.0e+00  }
0xae: {  	v1 =	vsel vm15, v1, v2  }
0xaf: {  	v1 =	vmul.f32 $1.442695020e+00, v1;
	_ =	sdelay $0x1  }
0xb0: {  	(erf) = vpow2.f32 v1;
	_ =	sdelay $0x1  }
0xb1: {  	s29 =	simm.s32 $0x5800;
	s30 =	simm.s32 $0x6000;
	s28 =	simm.s32 $0x200  }
.LBB2_3:
0xb2: {  	_ =	sdelay $0x2  }
0xb3: {  	p0 =	sne.s32 s28, $0x1E00;
	s31 =	smov.u32 s28;
	s28 =	sadd.s32 $0x200, s28  }
0xb4: {  	_ =	sdelay $0x1  }
0xb5: {  	v1 =	vpop (erf)  }
0xb6: {  	[tilespmem:s26+$0x6070] =	vst v1  }
0xb7: {  	[spmem:s7] =	stream.indirect.scatter.add.f32 [tilespmem:s30], [sflag:$0x1], $0x1, s29, s18, $0xb8;
	[tilespmem:$0x6D00] =	vst v63  }
0xb8: {  	_ =	swait.ge [sflag:s19], $0x80  }
0xb9: {  	[sflag:s19] =	ssyncset.done $0x0  }
0xba: {  	s26 =	sshra.s32 s31, $0x2;
	[sflag:s19] =	ssyncadd.s32 $0xFFFFFF80  }
0xbb: {  	v1 =	vld [tilespmem:s26+$0x5000]  }
0xbc: {  	v2 =	vld [tilespmem:s26+$0x5800];
	_ =	sdelay $0x6  }
0xbd: {  	v1 =	vld.idx.msk [tilespmem:v1+s8+$0x0], $0xffff  }
0xbe: {  	v2 =	vld.idx.msk [tilespmem:v2+s14+$0x0], $0xffff;
	_ =	sdelay $0x5  }
0xbf: {  	v1 =	vadd.f32 v2, v1;
	_ =	sdelay $0x1  }
0xc0: {  	vm0 =	vgt.f32 v1, $0.0e+00;
	v2 =	vmul.f32 $2.000000030e-01, v1;
	_ =	sdelay $0x1  }
0xc1: {  	v1 =	vsel vm0, v1, v2  }
0xc2: {  	v1 =	vmul.f32 $1.442695020e+00, v1;
	_ =	sdelay $0x1  }
0xc3: {  	(erf) = vpow2.f32 v1;
	_ =	sdelay $0x1  }
0xc4: {  	v1 =	vld [tilespmem:s26+$0x5810]  }
0xc5: {  	v2 =	vld [tilespmem:s26+$0x5010];
	_ =	sdelay $0x5  }
0xc6: {  	v3 =	vpop (erf)  }
0xc7: {  	[tilespmem:s26+$0x6000] =	vst v3  }
0xc8: {  	v2 =	vld.idx.msk [tilespmem:v2+s8+$0x0], $0xffff  }
0xc9: {  	v1 =	vld.idx.msk [tilespmem:v1+s14+$0x0], $0xffff;
	_ =	sdelay $0x5  }
0xca: {  	v1 =	vadd.f32 v1, v2;
	_ =	sdelay $0x1  }
0xcb: {  	vm0 =	vgt.f32 v1, $0.0e+00;
	v2 =	vmul.f32 $2.000000030e-01, v1;
	_ =	sdelay $0x1  }
0xcc: {  	v1 =	vsel vm0, v1, v2  }
0xcd: {  	v1 =	vmul.f32 $1.442695020e+00, v1;
	_ =	sdelay $0x1  }
0xce: {  	(erf) = vpow2.f32 v1;
	_ =	sdelay $0x1  }
0xcf: {  	v1 =	vld [tilespmem:s26+$0x5820]  }
0xd0: {  	v2 =	vld [tilespmem:s26+$0x5020];
	_ =	sdelay $0x5  }
0xd1: {  	v3 =	vpop (erf)  }
0xd2: {  	[tilespmem:s26+$0x6010] =	vst v3  }
0xd3: {  	v2 =	vld.idx.msk [tilespmem:v2+s8+$0x0], $0xffff  }
0xd4: {  	v1 =	vld.idx.msk [tilespmem:v1+s14+$0x0], $0xffff;
	_ =	sdelay $0x5  }
0xd5: {  	v1 =	vadd.f32 v1, v2;
	_ =	sdelay $0x1  }
0xd6: {  	vm0 =	vgt.f32 v1, $0.0e+00;
	v2 =	vmul.f32 $2.000000030e-01, v1;
	_ =	sdelay $0x1  }
0xd7: {  	v1 =	vsel vm0, v1, v2  }
0xd8: {  	v1 =	vmul.f32 $1.442695020e+00, v1;
	_ =	sdelay $0x1  }
0xd9: {  	(erf) = vpow2.f32 v1;
	_ =	sdelay $0x1  }
0xda: {  	v1 =	vld [tilespmem:s26+$0x5830]  }
0xdb: {  	v2 =	vld [tilespmem:s26+$0x5030];
	_ =	sdelay $0x5  }
0xdc: {  	v3 =	vpop (erf)  }
0xdd: {  	[tilespmem:s26+$0x6020] =	vst v3  }
0xde: {  	v2 =	vld.idx.msk [tilespmem:v2+s8+$0x0], $0xffff  }
0xdf: {  	v1 =	vld.idx.msk [tilespmem:v1+s14+$0x0], $0xffff;
	_ =	sdelay $0x5  }
0xe0: {  	v1 =	vadd.f32 v1, v2;
	_ =	sdelay $0x1  }
0xe1: {  	vm0 =	vgt.f32 v1, $0.0e+00;
	v2 =	vmul.f32 $2.000000030e-01, v1;
	_ =	sdelay $0x1  }
0xe2: {  	v1 =	vsel vm0, v1, v2  }
0xe3: {  	v1 =	vmul.f32 $1.442695020e+00, v1;
	_ =	sdelay $0x1  }
0xe4: {  	(erf) = vpow2.f32 v1;
	_ =	sdelay $0x1  }
0xe5: {  	v1 =	vld [tilespmem:s26+$0x5840]  }
0xe6: {  	v2 =	vld [tilespmem:s26+$0x5040];
	_ =	sdelay $0x5  }
0xe7: {  	v3 =	vpop (erf)  }
0xe8: {  	[tilespmem:s26+$0x6030] =	vst v3  }
0xe9: {  	v2 =	vld.idx.msk [tilespmem:v2+s8+$0x0], $0xffff  }
0xea: {  	v1 =	vld.idx.msk [tilespmem:v1+s14+$0x0], $0xffff;
	_ =	sdelay $0x5  }
0xeb: {  	v1 =	vadd.f32 v1, v2;
	_ =	sdelay $0x1  }
0xec: {  	vm0 =	vgt.f32 v1, $0.0e+00;
	v2 =	vmul.f32 $2.000000030e-01, v1;
	_ =	sdelay $0x1  }
0xed: {  	v1 =	vsel vm0, v1, v2  }
0xee: {  	v1 =	vmul.f32 $1.442695020e+00, v1;
	_ =	sdelay $0x1  }
0xef: {  	(erf) = vpow2.f32 v1;
	_ =	sdelay $0x1  }
0xf0: {  	v1 =	vld [tilespmem:s26+$0x5850]  }
0xf1: {  	v2 =	vld [tilespmem:s26+$0x5050];
	_ =	sdelay $0x5  }
0xf2: {  	v3 =	vpop (erf)  }
0xf3: {  	[tilespmem:s26+$0x6040] =	vst v3  }
0xf4: {  	v2 =	vld.idx.msk [tilespmem:v2+s8+$0x0], $0xffff  }
0xf5: {  	v1 =	vld.idx.msk [tilespmem:v1+s14+$0x0], $0xffff;
	_ =	sdelay $0x5  }
0xf6: {  	v1 =	vadd.f32 v1, v2;
	_ =	sdelay $0x1  }
0xf7: {  	vm0 =	vgt.f32 v1, $0.0e+00;
	v2 =	vmul.f32 $2.000000030e-01, v1;
	_ =	sdelay $0x1  }
0xf8: {  	v1 =	vsel vm0, v1, v2  }
0xf9: {  	v1 =	vmul.f32 $1.442695020e+00, v1;
	_ =	sdelay $0x1  }
0xfa: {  	(erf) = vpow2.f32 v1;
	_ =	sdelay $0x1  }
0xfb: {  	v1 =	vld [tilespmem:s26+$0x5860]  }
0xfc: {  	v2 =	vld [tilespmem:s26+$0x5060];
	_ =	sdelay $0x5  }
0xfd: {  	v3 =	vpop (erf)  }
0xfe: {  	[tilespmem:s26+$0x6050] =	vst v3  }
0xff: {  	v2 =	vld.idx.msk [tilespmem:v2+s8+$0x0], $0xffff  }
0x100: {  	v1 =	vld.idx.msk [tilespmem:v1+s14+$0x0], $0xffff;
	_ =	sdelay $0x5  }
0x101: {  	v1 =	vadd.f32 v1, v2;
	_ =	sdelay $0x1  }
0x102: {  	vm0 =	vgt.f32 v1, $0.0e+00;
	v2 =	vmul.f32 $2.000000030e-01, v1;
	_ =	sdelay $0x1  }
0x103: {  	v1 =	vsel vm0, v1, v2  }
0x104: {  	v1 =	vmul.f32 $1.442695020e+00, v1;
	_ =	sdelay $0x1  }
0x105: {  	(erf) = vpow2.f32 v1;
	_ =	sdelay $0x1  }
0x106: {  	v1 =	vld [tilespmem:s26+$0x5870]  }
0x107: {  	v2 =	vld [tilespmem:s26+$0x5070];
	_ =	sdelay $0x5  }
0x108: {  	v3 =	vpop (erf)  }
0x109: {  	[tilespmem:s26+$0x6060] =	vst v3  }
0x10a: {  	v2 =	vld.idx.msk [tilespmem:v2+s8+$0x0], $0xffff  }
0x10b: {  	v1 =	vld.idx.msk [tilespmem:v1+s14+$0x0], $0xffff;
	_ =	sdelay $0x5  }
0x10c: {  	v1 =	vadd.f32 v1, v2;
	_ =	sdelay $0x1  }
0x10d: {  	vm0 =	vgt.f32 v1, $0.0e+00;
	v2 =	vmul.f32 $2.000000030e-01, v1;
	_ =	sdelay $0x1  }
0x10e: {  	v1 =	vsel vm0, v1, v2  }
.Ltmp0:
0x10f: {  	v1 =	vmul.f32 $1.442695020e+00, v1;
	(pc) =	sbr.rel @p0 .LBB2_3-.Ltmp0, $3  }
0x110: {  	_ = 	snop  }
0x111: {  	(erf) = vpow2.f32 v1;
	_ =	sdelay $0x1  }
0x112: {  	s29 =	sadd.s32 $0x5800, s26;
	s30 =	sadd.s32 $0x6000, s26  }
0x113: {  	_ =	sdelay $0x5  }
0x114: {  	v1 =	vpop (erf)  }
0x115: {  	[tilespmem:s26+$0x6070] =	vst v1  }
0x116: {  	[spmem:s7] =	stream.indirect.scatter.add.f32 [tilespmem:s30], [sflag:$0x1], $0x1, s29, s18, $0xb8;
	[tilespmem:$0x6D00] =	vst v63  }
0x117: {  	s24 =	sadd.s32 $0x1, s24;
	_ =	swait.ge [sflag:s19], $0x80  }
0x118: {  	p0 =	sne.s32 s24, $0x5;
	[sflag:s19] =	ssyncset.done $0x0  }
.Ltmp1:
0x119: {  	s25 =	sadd.s32 s5, s25;
	[sflag:s19] =	ssyncadd.s32 $0xFFFFFF80;
	(pc) =	sbr.rel @p0 .LBB2_2-.Ltmp1, $4  }
0x11a: {  	[hbm4b:s25+s8] =	stream.linear.scatter [tilespmem:s20], [sflag:$0x2], $0x800, $0x38;
	[tilespmem:$0x6D00] =	vst v63  }
0x11b: {  	_ =	swait.ge [sflag:s13], $0x800  }
0x11c: {  	[sflag:s13] =	ssyncset.done $0x0  }
0x11d: {  	[sflag:s13] =	ssyncadd.s32 $0xFFFFF800  }
0x11e: {  	s23 =	sadd.s32 $0x1, s23  }
0x11f: {  	p0 =	sne.s32 s23, s12  }
.Ltmp2:
0x120: {  	[bflag:$0x0] =	sbarrier.arrive $0xFFFF;
	(pc) =	sbr.rel @p0 .LBB2_1-.Ltmp2, $4  }
0x121: {  	[hbm:s11], [sflag:s21] =	dma.local [spmem:s22], $0x50  }
0x122: {  	_ =	swait.ge [sflag:s13], $0x50  }
0x123: {  	[sflag:s13] =	ssyncset.done $0x0  }
0x124: {  	[sflag:s13] =	ssyncadd.s32 $0xFFFFFFB0  }
0x125: {  	_ =	sfence.sel $0x180000  }
0x126: {  	[bflag:$0x0] =	sbarrier.arrive $0xFFFF  }
0x127: {  	p0 =	sne.s32 s2, $0x0;
	_ =	strace $0x90000047  }
0x128: {  	s0 =	sadd.s32 @!p0 $0x100000, s6;
	[bflag:$0x2] =	sbarrier.arrive $0xFFFF  }
0x129: {  	[sflag:s0] =	ssyncadd.tile.s32 @!p0 $0x1;
	_ =	shalt  }
.Lfunc_end2:
_tile_overlayer_lowered:
.L_overlay_start_2:
0x12a: {  	(tag) =	ssettag $0x2  }
0x12b: {  	s0 =	rddreg [dreg:$0x0];
	s2 =	stileid.u32  }
0x12c: {  	s1 =	rddreg [dreg:$0x1];
	p0 =	sne.s32 s2, $0x0  }
0x12d: {  	s3 =	rddreg [dreg:$0x2];
	[bflag:$0x3] =	sbarrier.arrive $0xFFFF;
	s2 =	simm.s32 @!p0 $0x1C02  }
0x12e: {  	[timem:s3], [sflag:s2] =	dma.local @!p0 [hbm:s0], s1  }
0x12f: {  	s0 =	simm.s32 @!p0 $0x2  }
0x130: {  	_ =	swait.ge @!p0 [sflag:s0], s1  }
0x131: {  	s1 =	ssub.s32 @!p0 $0x0, s1;
	[sflag:s0] =	ssyncset.done @!p0 $0x0  }
0x132: {  	[sflag:s0] =	ssyncadd.s32 @!p0 s1  }
0x133: {  	[bflag:$0x3] =	sbarrier.arrive $0xFFFF  }
0x134: {  	_ =	shalt  }

</sc_bundles>
